<compile_context>
chip_gen: v7x
topology: tpu7x:2x2x1
jax: 0.10.2.dev20260603
libtpu: 0.0.44.dev20260713+nightly
codegen_flags: <defaults>
</compile_context>

<pallas_src>
import jax
import jax.numpy as jnp
from jax.experimental import pallas as pl
from jax.experimental.pallas import tpu as pltpu
from jax.experimental.pallas import tpu_sc as plsc

BATCH = 16384
FACTOR = 32
MLP_DIM = 128
GATHER_WINDOW = 256

def _vector_mesh():
    return plsc.VectorSubcoreMesh(
        core_axis_name="core", subcore_axis_name="subcore"
    )


def _gather_pipeline(table_hbm, idx_hbm, out_hbm):
    def body(idx_vmem, out_vmem):
        pltpu.sync_copy(table_hbm.at[idx_vmem.at[0]], out_vmem)

    pltpu.emit_pipeline(
        body,
        grid=(BATCH // GATHER_WINDOW,),
        in_specs=[pl.BlockSpec((1, GATHER_WINDOW), index_map=lambda i: (0, i))],
        out_specs=[pl.BlockSpec((GATHER_WINDOW, 128), index_map=lambda i: (i, 0))],
        core_axis_name=("core", "subcore"),
        dimension_semantics=(pltpu.PARALLEL,),
    )(idx_hbm, out_hbm)


def _sc_gather_mlp(user2, item2, W_user_mlp, W_item_mlp):
    out_types = (
        jax.ShapeDtypeStruct((BATCH, MLP_DIM), jnp.float32),
        jax.ShapeDtypeStruct((BATCH, MLP_DIM), jnp.float32),
    )

    @pl.kernel(out_type=out_types, mesh=_vector_mesh(), scratch_types=[])
    def gather_mlp(u_hbm, i_hbm, wum_hbm, wim_hbm, eum_hbm, eim_hbm):
        _gather_pipeline(wum_hbm, u_hbm, eum_hbm)
        _gather_pipeline(wim_hbm, i_hbm, eim_hbm)

    return gather_mlp(user2, item2, W_user_mlp, W_item_mlp)


def _sc_gather_gmf(u2half, i2half, Wpack):
    out_types = (
        jax.ShapeDtypeStruct((BATCH, 128), jnp.float32),
        jax.ShapeDtypeStruct((BATCH, 128), jnp.float32),
    )

    @pl.kernel(out_type=out_types, mesh=_vector_mesh(), scratch_types=[])
    def gather_gmf(u_hbm, i_hbm, wp_hbm, gu_hbm, gi_hbm):
        _gather_pipeline(wp_hbm, u_hbm, gu_hbm)
        _gather_pipeline(wp_hbm, i_hbm, gi_hbm)

    return gather_gmf(u2half, i2half, Wpack)


def _tc_pack_kernel(wua_ref, wia_ref, wub_ref, wib_ref, eye_ref, out_ref):
    xall = jnp.concatenate(
        [wua_ref[...], wia_ref[...], wub_ref[...], wib_ref[...]], axis=0)
    out_ref[...] = jax.lax.dot_general(
        xall, eye_ref[...], (((0,), (0,)), ((), ())),
        preferred_element_type=jnp.float32)


PACK_BLK = 3584
PACK_STEPS = 14
PACK_H = PACK_BLK * PACK_STEPS


def _tc_pack(WugT, WigT):
    eye = jnp.eye(128, dtype=jnp.float32)
    colblk = lambda off: pl.BlockSpec((FACTOR, PACK_BLK),
                                      lambda i, off=off: (0, i + off))
    smallspec = pl.BlockSpec((128, 128), lambda i: (0, 0))
    return pl.pallas_call(
        _tc_pack_kernel,
        grid=(PACK_STEPS,),
        in_specs=[colblk(0), colblk(0), colblk(PACK_STEPS), colblk(PACK_STEPS),
                  smallspec],
        out_specs=pl.BlockSpec((PACK_BLK, 128), lambda i: (i, 0)),
        out_shape=jax.ShapeDtypeStruct((PACK_H, 128), jnp.float32),
    )(WugT, WigT, WugT, WigT, eye)


def _tc_dense_kernel(gu_ref, gi_ref, par_ref, eum_ref, eim_ref,
                     w0a_ref, w0b_ref, b0_ref, w1_ref, b1_ref,
                     w2_ref, b2_ref, pwg_ref, pwm_ref, pb_ref, out_ref):
    h0 = jnp.dot(eum_ref[...], w0a_ref[...], preferred_element_type=jnp.float32)
    h0 += jnp.dot(eim_ref[...], w0b_ref[...], preferred_element_type=jnp.float32)
    h0 = jnp.maximum(h0 + b0_ref[...], 0.0)
    h1 = jnp.dot(h0, w1_ref[...], preferred_element_type=jnp.float32)
    h1 = jnp.maximum(h1 + b1_ref[...], 0.0)
    h2 = jnp.dot(h1, w2_ref[...], preferred_element_type=jnp.float32)
    h2 = jnp.maximum(h2 + b2_ref[...], 0.0)

    gu = gu_ref[...]
    gi = gi_ref[...]
    ub = par_ref[:, 0:1] > 0.5
    ib = par_ref[:, 1:2] > 0.5
    gu_al = jnp.where(ub, jnp.roll(gu, -64, axis=1), gu)
    gi_al = jnp.where(ib, jnp.roll(gi, -96, axis=1),
                      jnp.roll(gi, -32, axis=1))
    g = gu_al * gi_al

    pred = jnp.dot(g, pwg_ref[...], preferred_element_type=jnp.float32)
    pred += jnp.dot(h2, pwm_ref[...], preferred_element_type=jnp.float32)
    out_ref[...] = pred + pb_ref[0, 0]


def kernel(user, item, W_user_gmf, W_item_gmf, W_user_mlp, W_item_mlp,
           mlp_W0, mlp_b0, mlp_W1, mlp_b1, mlp_W2, mlp_b2, pred_W, pred_b):
    user = user.astype(jnp.int32)
    item = item.astype(jnp.int32)
    user2 = user.reshape(1, BATCH)
    item2 = item.reshape(1, BATCH)

    Wpack = _tc_pack(W_user_gmf.T, W_item_gmf.T)
    upar = (user2 >= PACK_H).astype(jnp.int32)
    ipar = (item2 >= PACK_H).astype(jnp.int32)
    u2half = user2 - upar * PACK_H
    i2half = item2 - ipar * PACK_H
    par = jnp.stack([upar.reshape(BATCH).astype(jnp.float32),
                     ipar.reshape(BATCH).astype(jnp.float32)], axis=1)

    eu_mlp, ei_mlp = _sc_gather_mlp(user2, item2, W_user_mlp, W_item_mlp)
    Wpack, eu_mlp, ei_mlp = jax.lax.optimization_barrier(
        (Wpack, eu_mlp, ei_mlp))
    gu, gi = _sc_gather_gmf(u2half, i2half, Wpack)

    w0a = mlp_W0[:, :MLP_DIM].T
    w0b = mlp_W0[:, MLP_DIM:].T
    w1 = mlp_W1.T
    w2 = mlp_W2.T
    b0 = mlp_b0.reshape(1, -1)
    b1 = mlp_b1.reshape(1, -1)
    b2 = mlp_b2.reshape(1, -1)
    pwg = jnp.pad(pred_W[:, :FACTOR], ((0, 0), (0, 128 - FACTOR))).T
    pwm = pred_W[:, FACTOR:].T
    pb = pred_b.reshape(1, 1)

    blk = 4096
    grid = (BATCH // blk,)
    row_spec = lambda d: pl.BlockSpec((blk, d), lambda i: (i, 0))
    full = lambda a: pl.BlockSpec(a.shape, lambda i: (0,) * a.ndim)

    out = pl.pallas_call(
        _tc_dense_kernel,
        grid=grid,
        in_specs=[
            row_spec(128), row_spec(128), row_spec(2),
            row_spec(MLP_DIM), row_spec(MLP_DIM),
            full(w0a), full(w0b), full(b0),
            full(w1), full(b1), full(w2), full(b2),
            full(pwg), full(pwm), full(pb),
        ],
        out_specs=pl.BlockSpec((blk, 1), lambda i: (i, 0)),
        out_shape=jax.ShapeDtypeStruct((BATCH, 1), jnp.float32),
    )(gu, gi, par, eu_mlp, ei_mlp,
      w0a, w0b, b0, w1, b1, w2, b2, pwg, pwm, pb)
    return out.reshape(-1)

# --- scband reference (transcript-rebuilt; emitter-appended) ---
"""Pipeline reference for scband-ncf-45887430590534 (READ-ONLY COPY).

The authoritative reference and input builder live on the scoring server;
editing this copy changes nothing except your own understanding.
"""

import jax, jax.numpy as jnp
import numpy as np

USER_NUM = 100000
ITEM_NUM = 100000
FACTOR = 32
MLP_DIM = FACTOR * 2 ** (3 - 1)  # 128
BATCH = 16384


def setup_inputs(seed: int = 0) -> dict:
    key = jax.random.key(seed)
    ks = jax.random.split(key, 16)
    user = jax.random.randint(ks[0], (BATCH,), 0, USER_NUM, dtype=jnp.int64 if jax.config.jax_enable_x64 else jnp.int32)
    item = jax.random.randint(ks[1], (BATCH,), 0, ITEM_NUM, dtype=jnp.int64 if jax.config.jax_enable_x64 else jnp.int32)
    W_user_gmf = 0.01 * jax.random.normal(ks[2], (USER_NUM, FACTOR), dtype=jnp.float32)
    W_item_gmf = 0.01 * jax.random.normal(ks[3], (ITEM_NUM, FACTOR), dtype=jnp.float32)
    W_user_mlp = 0.01 * jax.random.normal(ks[4], (USER_NUM, MLP_DIM), dtype=jnp.float32)
    W_item_mlp = 0.01 * jax.random.normal(ks[5], (ITEM_NUM, MLP_DIM), dtype=jnp.float32)
    # MLP layers: 256->128, 128->64, 64->32 (xavier uniform)
    def xavier(k, fan_out, fan_in):
        bound = float(np.sqrt(6.0 / (fan_in + fan_out)))
        return jax.random.uniform(k, (fan_out, fan_in), dtype=jnp.float32, minval=-bound, maxval=bound)
    mlp_W0 = xavier(ks[6], 128, 256)
    mlp_b0 = jnp.zeros((128,), dtype=jnp.float32)
    mlp_W1 = xavier(ks[7], 64, 128)
    mlp_b1 = jnp.zeros((64,), dtype=jnp.float32)
    mlp_W2 = xavier(ks[8], 32, 64)
    mlp_b2 = jnp.zeros((32,), dtype=jnp.float32)
    # predict layer: 64 -> 1 (kaiming-uniform-ish init)
    bound = float(np.sqrt(6.0 / 64) / np.sqrt(2.0))
    pred_W = jax.random.uniform(ks[9], (1, 64), dtype=jnp.float32, minval=-bound, maxval=bound)
    pred_b = jnp.zeros((1,), dtype=jnp.float32)
    return {
        "user": user, "item": item,
        "W_user_gmf": W_user_gmf, "W_item_gmf": W_item_gmf,
        "W_user_mlp": W_user_mlp, "W_item_mlp": W_item_mlp,
        "mlp_W0": mlp_W0, "mlp_b0": mlp_b0,
        "mlp_W1": mlp_W1, "mlp_b1": mlp_b1,
        "mlp_W2": mlp_W2, "mlp_b2": mlp_b2,
        "pred_W": pred_W, "pred_b": pred_b,
    }


def reference(user, item, W_user_gmf, W_item_gmf, W_user_mlp, W_item_mlp,
              mlp_W0, mlp_b0, mlp_W1, mlp_b1, mlp_W2, mlp_b2, pred_W, pred_b):
    # GMF path: elementwise product of gathered embeddings
    eu_gmf = jnp.take(W_user_gmf, user, axis=0)
    ei_gmf = jnp.take(W_item_gmf, item, axis=0)
    output_gmf = eu_gmf * ei_gmf  # [B, 32]
    # MLP path
    eu_mlp = jnp.take(W_user_mlp, user, axis=0)
    ei_mlp = jnp.take(W_item_mlp, item, axis=0)
    x = jnp.concatenate([eu_mlp, ei_mlp], axis=-1)  # [B, 256]
    # dropout p=0.0 -> identity (eval semantics)
    x = jax.nn.relu(x @ mlp_W0.T + mlp_b0)
    x = jax.nn.relu(x @ mlp_W1.T + mlp_b1)
    x = jax.nn.relu(x @ mlp_W2.T + mlp_b2)  # [B, 32]
    concat = jnp.concatenate([output_gmf, x], axis=-1)  # [B, 64]
    prediction = concat @ pred_W.T + pred_b  # [B, 1]
    return prediction.reshape(-1)

if __name__ == "__main__":
    import jax
    _d = setup_inputs()
    print(jax.jit(kernel)(*tuple(_d.values())))

</pallas_src>

<mosaic_0001>
#map = affine_map<(d0, d1) -> (0, 0)>
module attributes {stable_mosaic.version = 14 : i64} {
  func.func @gather_gmf(%arg0: i32, %arg1: i32, %arg2: memref<1x16384xi32, #tpu.memory_space<hbm>>, %arg3: memref<1x16384xi32, #tpu.memory_space<hbm>>, %arg4: memref<50176x128xf32, #tpu.memory_space<hbm>>, %arg5: memref<16384x128xf32, #tpu.memory_space<hbm>>, %arg6: memref<16384x128xf32, #tpu.memory_space<hbm>>) attributes {dimension_semantics = [#tpu.dimension_semantics<core_parallel>, #tpu.dimension_semantics<subcore_parallel>], iteration_bounds = array<i64: 2, 16>, scalar_prefetch = 0 : i64, scratch_operands = 0 : i64, tpu.core_type = #tpu.core_type<sc_vector_subcore>, window_params = [{transform_indices = #map}, {transform_indices = #map}, {transform_indices = #map}, {transform_indices = #map}, {transform_indices = #map}]} {
    %mul3A = arith.constant 1 : i32
    %mul3A_0 = arith.muli %arg1, %mul3A : i32
    %add3A = arith.constant 0 : i32
    %add3A_1 = arith.addi %add3A, %mul3A_0 : i32
    %mul3A_2 = arith.constant 16 : i32
    %mul3A_3 = arith.muli %arg0, %mul3A_2 : i32
    %add3A_4 = arith.addi %add3A_1, %mul3A_3 : i32
    %mul3A_5 = arith.constant 2 : i32
    %mul3A_6 = arith.muli %add3A_4, %mul3A_5 : i32
    "tpu.region"() ({
      %run_scoped3A = memref.alloca() : memref<2x1x256xi32, #tpu.memory_space<vmem>>
      %run_scoped3A_16 = tpu.sem_alloc : memref<2x!tpu.dma_semaphore, #tpu.memory_space<semaphore_mem>>
      %run_scoped3A_17 = memref.alloca() : memref<2x256x128xf32, #tpu.memory_space<vmem>>
      %run_scoped3A_18 = tpu.sem_alloc : memref<2x!tpu.dma_semaphore, #tpu.memory_space<semaphore_mem>>
      %add3A_19 = arith.constant 0 : i32
      %add3A_20 = arith.addi %add3A_19, %mul3A_6 : i32
      %select_n3A = arith.constant true
      %select_n3A_21 = arith.constant 0 : i32
      %select_n3A_22 = arith.constant -1 : i32
      %select_n3A_23 = arith.select %select_n3A, %select_n3A_22, %select_n3A_21 : i32
      %eq3A = arith.constant -1 : i32
      %eq3A_24 = arith.cmpi eq, %select_n3A_23, %eq3A : i32
      %select_n3A_25 = arith.constant 1 : i32
      %select_n3A_26 = arith.select %eq3A_24, %select_n3A_25, %select_n3A_23 : i32
      %add3A_27 = arith.addi %select_n3A_26, %mul3A_6 : i32
      %select_n3A_28 = arith.constant true
      %select_n3A_29 = arith.constant 0 : i32
      %select_n3A_30 = arith.constant 1 : i32
      %select_n3A_31 = arith.select %select_n3A_28, %select_n3A_30, %select_n3A_29 : i32
      %eq3A_32 = arith.constant 2 : i32
      %eq3A_33 = arith.cmpi eq, %select_n3A_31, %eq3A_32 : i32
      %select_n3A_34 = arith.constant 0 : i32
      %select_n3A_35 = arith.select %eq3A_33, %select_n3A_34, %select_n3A_31 : i32
      %add3A_36 = arith.addi %select_n3A_35, %mul3A_6 : i32
      %add3A_37 = arith.constant 1 : i32
      %add3A_38 = arith.addi %select_n3A_35, %add3A_37 : i32
      %select_n3A_39 = arith.constant true
      %select_n3A_40 = arith.select %select_n3A_39, %add3A_38, %select_n3A_35 : i32
      %eq3A_41 = arith.constant 2 : i32
      %eq3A_42 = arith.cmpi eq, %select_n3A_40, %eq3A_41 : i32
      %select_n3A_43 = arith.constant 0 : i32
      %select_n3A_44 = arith.select %eq3A_42, %select_n3A_43, %select_n3A_40 : i32
      %add3A_45 = arith.addi %select_n3A_44, %mul3A_6 : i32
      "tpu.trace_start"() <{level = 10 : i32, message = "ep_initialize_0"}> : () -> ()
      %rem3A = arith.constant 0 : i32
      %rem3A_46 = arith.constant 2 : i32
      %rem3A_47 = arith.remui %rem3A, %rem3A_46 : i32
      %mul3A_48 = arith.constant 256 : i32
      %mul3A_49 = arith.muli %mul3A_48, %add3A_20 : i32
      %dma_start3A = arith.constant 0 : i32
      %dma_start3A_50 = arith.constant 0 : i32
      %dma_start3A_51 = tpu.memref_slice %run_scoped3A[%rem3A_47, %dma_start3A, %dma_start3A_50] : memref<2x1x256xi32, #tpu.memory_space<vmem>> -> memref<1x1x256xi32, #tpu.memory_space<vmem>>
      %dma_start3A_52 = tpu.memref_squeeze %dma_start3A_51 : memref<1x1x256xi32, #tpu.memory_space<vmem>> -> memref<1x256xi32, #tpu.memory_space<vmem>>
      %dma_start3A_53 = arith.constant 0 : i32
      %dma_start3A_54 = tpu.memref_slice %arg2[%dma_start3A_53, %mul3A_49] : memref<1x16384xi32, #tpu.memory_space<hbm>> -> memref<1x256xi32, #tpu.memory_space<hbm>>
      %dma_start3A_55 = tpu.memref_slice %run_scoped3A_16[%rem3A_47] : memref<2x!tpu.dma_semaphore, #tpu.memory_space<semaphore_mem>> -> memref<1x!tpu.dma_semaphore, #tpu.memory_space<semaphore_mem>>
      %dma_start3A_56 = tpu.memref_squeeze %dma_start3A_55 : memref<1x!tpu.dma_semaphore, #tpu.memory_space<semaphore_mem>> -> memref<!tpu.dma_semaphore, #tpu.memory_space<semaphore_mem>>
      %dma_start3A_57 = arith.constant 0 : i32
      %dma_start3A_58 = arith.constant 0 : i32
      %dma_start3A_59 = tpu.memref_slice %run_scoped3A[%rem3A_47, %dma_start3A_57, %dma_start3A_58] : memref<2x1x256xi32, #tpu.memory_space<vmem>> -> memref<1x1x256xi32, #tpu.memory_space<vmem>>
      %dma_start3A_60 = tpu.memref_squeeze %dma_start3A_59 : memref<1x1x256xi32, #tpu.memory_space<vmem>> -> memref<1x256xi32, #tpu.memory_space<vmem>>
      %dma_start3A_61 = arith.constant 0 : i32
      %dma_start3A_62 = tpu.memref_slice %arg2[%dma_start3A_61, %mul3A_49] : memref<1x16384xi32, #tpu.memory_space<hbm>> -> memref<1x256xi32, #tpu.memory_space<hbm>>
      tpu.enqueue_dma source(%dma_start3A_62 : memref<1x256xi32, #tpu.memory_space<hbm>>) target(%dma_start3A_60 : memref<1x256xi32, #tpu.memory_space<vmem>>) target_semaphore(%dma_start3A_56 : memref<!tpu.dma_semaphore, #tpu.memory_space<semaphore_mem>>)
      %add3A_63 = arith.constant 0 : i32
      %add3A_64 = arith.constant 1 : i32
      %add3A_65 = arith.addi %add3A_63, %add3A_64 : i32
      %select_n3A_66 = arith.constant true
      %select_n3A_67 = arith.constant 0 : i32
      %select_n3A_68 = arith.select %select_n3A_66, %add3A_65, %select_n3A_67 : i32
      "tpu.trace_stop"() : () -> ()
      %scan3A = arith.constant 0 : i32
      %scan3A_69 = arith.constant 0 : i32
      %scan3A_70 = arith.constant 0 : i32
      %scan3A_71 = arith.constant 0 : i32
      %scan3A_72 = arith.constant 0 : i32
      %scan3A_73 = arith.constant 2 : i32
      %scan3A_74 = arith.addi %scan3A_72, %scan3A_73 : i32
      %scan3A_75 = arith.constant 1 : i32
      %scan3A_76:5 = scf.for %scan3A_130 = %scan3A_72 to %scan3A_74 step %scan3A_75 iter_args(%scan3A_131 = %select_n3A_68, %scan3A_132 = %scan3A, %scan3A_133 = %scan3A_69, %scan3A_134 = %scan3A_70, %scan3A_135 = %scan3A_71) -> (i32, i32, i32, i32, i32)  : i32 {
        %eq3A_136 = arith.constant 0 : i32
        %eq3A_137 = arith.cmpi eq, %scan3A_130, %eq3A_136 : i32
        %eq3A_138 = arith.constant 1 : i32
        %eq3A_139 = arith.cmpi eq, %scan3A_130, %eq3A_138 : i32
        %add3A_140 = arith.addi %scan3A_135, %mul3A_6 : i32
        %sub3A_141 = arith.constant 1 : i32
        %sub3A_142 = arith.subi %scan3A_135, %sub3A_141 : i32
        %select_n3A_143 = arith.constant true
        %select_n3A_144 = arith.select %select_n3A_143, %sub3A_142, %scan3A_135 : i32
        %eq3A_145 = arith.constant -1 : i32
        %eq3A_146 = arith.cmpi eq, %select_n3A_144, %eq3A_145 : i32
        %select_n3A_147 = arith.constant 1 : i32
        %select_n3A_148 = arith.select %eq3A_146, %select_n3A_147, %select_n3A_144 : i32
        %add3A_149 = arith.addi %select_n3A_148, %mul3A_6 : i32
        %add3A_150 = arith.constant 1 : i32
        %add3A_151 = arith.addi %scan3A_135, %add3A_150 : i32
        %select_n3A_152 = arith.constant true
        %select_n3A_153 = arith.select %select_n3A_152, %add3A_151, %scan3A_135 : i32
        %eq3A_154 = arith.constant 2 : i32
        %eq3A_155 = arith.cmpi eq, %select_n3A_153, %eq3A_154 : i32
        %select_n3A_156 = arith.constant 0 : i32
        %select_n3A_157 = arith.select %eq3A_155, %select_n3A_156, %select_n3A_153 : i32
        %add3A_158 = arith.addi %select_n3A_157, %mul3A_6 : i32
        %add3A_159 = arith.constant 1 : i32
        %add3A_160 = arith.addi %select_n3A_157, %add3A_159 : i32
        %select_n3A_161 = arith.constant true
        %select_n3A_162 = arith.select %select_n3A_161, %add3A_160, %select_n3A_157 : i32
        %eq3A_163 = arith.constant 2 : i32
        %eq3A_164 = arith.cmpi eq, %select_n3A_162, %eq3A_163 : i32
        %select_n3A_165 = arith.constant 0 : i32
        %select_n3A_166 = arith.select %eq3A_164, %select_n3A_165, %select_n3A_162 : i32
        %add3A_167 = arith.addi %select_n3A_166, %mul3A_6 : i32
        %ne3A = arith.cmpi ne, %add3A_140, %add3A_158 : i32
        %or3A = arith.constant false
        %or3A_168 = arith.ori %or3A, %ne3A : i1
        %ge3A = arith.constant 1 : i32
        %ge3A_169 = arith.cmpi sge, %scan3A_130, %ge3A : i32
        %not3A = arith.constant true
        %not3A_170 = arith.xori %ge3A_169, %not3A : i1
        %and3A = arith.andi %or3A_168, %not3A_170 : i1
        %convert_element_type3A = arith.extui %and3A : i1 to i32
        %cond3A = arith.constant 0 : i32
        %cond3A_171 = arith.cmpi ne, %convert_element_type3A, %cond3A : i32
        scf.if %cond3A_171 {
          "tpu.trace_start"() <{level = 10 : i32, message = "ep_copy_in"}> : () -> ()
          %rem3A_273 = arith.constant 2 : i32
          %rem3A_274 = arith.remui %scan3A_131, %rem3A_273 : i32
          %mul3A_275 = arith.constant 256 : i32
          %mul3A_276 = arith.muli %mul3A_275, %add3A_158 : i32
          %dma_start3A_277 = arith.constant 0 : i32
          %dma_start3A_278 = arith.constant 0 : i32
          %dma_start3A_279 = tpu.memref_slice %run_scoped3A[%rem3A_274, %dma_start3A_277, %dma_start3A_278] : memref<2x1x256xi32, #tpu.memory_space<vmem>> -> memref<1x1x256xi32, #tpu.memory_space<vmem>>
          %dma_start3A_280 = tpu.memref_squeeze %dma_start3A_279 : memref<1x1x256xi32, #tpu.memory_space<vmem>> -> memref<1x256xi32, #tpu.memory_space<vmem>>
          %dma_start3A_281 = arith.constant 0 : i32
          %dma_start3A_282 = tpu.memref_slice %arg2[%dma_start3A_281, %mul3A_276] : memref<1x16384xi32, #tpu.memory_space<hbm>> -> memref<1x256xi32, #tpu.memory_space<hbm>>
          %dma_start3A_283 = tpu.memref_slice %run_scoped3A_16[%rem3A_274] : memref<2x!tpu.dma_semaphore, #tpu.memory_space<semaphore_mem>> -> memref<1x!tpu.dma_semaphore, #tpu.memory_space<semaphore_mem>>
          %dma_start3A_284 = tpu.memref_squeeze %dma_start3A_283 : memref<1x!tpu.dma_semaphore, #tpu.memory_space<semaphore_mem>> -> memref<!tpu.dma_semaphore, #tpu.memory_space<semaphore_mem>>
          %dma_start3A_285 = arith.constant 0 : i32
          %dma_start3A_286 = arith.constant 0 : i32
          %dma_start3A_287 = tpu.memref_slice %run_scoped3A[%rem3A_274, %dma_start3A_285, %dma_start3A_286] : memref<2x1x256xi32, #tpu.memory_space<vmem>> -> memref<1x1x256xi32, #tpu.memory_space<vmem>>
          %dma_start3A_288 = tpu.memref_squeeze %dma_start3A_287 : memref<1x1x256xi32, #tpu.memory_space<vmem>> -> memref<1x256xi32, #tpu.memory_space<vmem>>
          %dma_start3A_289 = arith.constant 0 : i32
          %dma_start3A_290 = tpu.memref_slice %arg2[%dma_start3A_289, %mul3A_276] : memref<1x16384xi32, #tpu.memory_space<hbm>> -> memref<1x256xi32, #tpu.memory_space<hbm>>
          tpu.enqueue_dma source(%dma_start3A_290 : memref<1x256xi32, #tpu.memory_space<hbm>>) target(%dma_start3A_288 : memref<1x256xi32, #tpu.memory_space<vmem>>) target_semaphore(%dma_start3A_284 : memref<!tpu.dma_semaphore, #tpu.memory_space<semaphore_mem>>)
          "tpu.trace_stop"() : () -> ()
        } else {
        }
        %and3A_172 = arith.constant true
        %and3A_173 = arith.andi %and3A, %and3A_172 : i1
        %add3A_174 = arith.constant 1 : i32
        %add3A_175 = arith.addi %scan3A_131, %add3A_174 : i32
        %select_n3A_176 = arith.select %and3A_173, %add3A_175, %scan3A_131 : i32
        %ne3A_177 = arith.cmpi ne, %add3A_140, %add3A_158 : i32
        %or3A_178 = arith.constant false
        %or3A_179 = arith.ori %or3A_178, %ne3A_177 : i1
        %or3A_180 = arith.constant false
        %or3A_181 = arith.ori %or3A_179, %or3A_180 : i1
        %ge3A_182 = arith.constant 1 : i32
        %ge3A_183 = arith.cmpi sge, %scan3A_130, %ge3A_182 : i32
        %not3A_184 = arith.constant true
        %not3A_185 = arith.xori %ge3A_183, %not3A_184 : i1
        %and3A_186 = arith.andi %or3A_181, %not3A_185 : i1
        %ne3A_187 = arith.cmpi ne, %add3A_140, %add3A_149 : i32
        %or3A_188 = arith.constant false
        %or3A_189 = arith.ori %or3A_188, %ne3A_187 : i1
        %or3A_190 = arith.ori %or3A_189, %eq3A_137 : i1
        %convert_element_type3A_191 = arith.extui %or3A_190 : i1 to i32
        %cond3A_192 = arith.constant 0 : i32
        %cond3A_193 = arith.cmpi ne, %convert_element_type3A_191, %cond3A_192 : i32
        scf.if %cond3A_193 {
          "tpu.trace_start"() <{level = 10 : i32, message = "ep_wait_in"}> : () -> ()
          %mul3A_273 = arith.constant 256 : i32
          %mul3A_274 = arith.muli %mul3A_273, %add3A_140 : i32
          %rem3A_275 = arith.constant 2 : i32
          %rem3A_276 = arith.remui %scan3A_132, %rem3A_275 : i32
          %dma_wait3A_277 = arith.constant 0 : i32
          %dma_wait3A_278 = arith.constant 0 : i32
          %dma_wait3A_279 = tpu.memref_slice %run_scoped3A[%rem3A_276, %dma_wait3A_277, %dma_wait3A_278] : memref<2x1x256xi32, #tpu.memory_space<vmem>> -> memref<1x1x256xi32, #tpu.memory_space<vmem>>
          %dma_wait3A_280 = tpu.memref_squeeze %dma_wait3A_279 : memref<1x1x256xi32, #tpu.memory_space<vmem>> -> memref<1x256xi32, #tpu.memory_space<vmem>>
          %dma_wait3A_281 = arith.constant 0 : i32
          %dma_wait3A_282 = tpu.memref_slice %arg2[%dma_wait3A_281, %mul3A_274] : memref<1x16384xi32, #tpu.memory_space<hbm>> -> memref<1x256xi32, #tpu.memory_space<hbm>>
          %dma_wait3A_283 = tpu.memref_slice %run_scoped3A_16[%rem3A_276] : memref<2x!tpu.dma_semaphore, #tpu.memory_space<semaphore_mem>> -> memref<1x!tpu.dma_semaphore, #tpu.memory_space<semaphore_mem>>
          %dma_wait3A_284 = tpu.memref_squeeze %dma_wait3A_283 : memref<1x!tpu.dma_semaphore, #tpu.memory_space<semaphore_mem>> -> memref<!tpu.dma_semaphore, #tpu.memory_space<semaphore_mem>>
          %dma_wait3A_285 = arith.constant 0 : i32
          %dma_wait3A_286 = arith.constant 0 : i32
          %dma_wait3A_287 = tpu.memref_slice %run_scoped3A[%rem3A_276, %dma_wait3A_285, %dma_wait3A_286] : memref<2x1x256xi32, #tpu.memory_space<vmem>> -> memref<1x1x256xi32, #tpu.memory_space<vmem>>
          %dma_wait3A_288 = tpu.memref_squeeze %dma_wait3A_287 : memref<1x1x256xi32, #tpu.memory_space<vmem>> -> memref<1x256xi32, #tpu.memory_space<vmem>>
          %dma_wait3A_289 = arith.constant 0 : i32
          %dma_wait3A_290 = tpu.memref_slice %arg2[%dma_wait3A_289, %mul3A_274] : memref<1x16384xi32, #tpu.memory_space<hbm>> -> memref<1x256xi32, #tpu.memory_space<hbm>>
          tpu.wait_dma2 semaphore(%dma_wait3A_284 : memref<!tpu.dma_semaphore, #tpu.memory_space<semaphore_mem>>) src(%dma_wait3A_290 : memref<1x256xi32, #tpu.memory_space<hbm>>) dst(%dma_wait3A_288 : memref<1x256xi32, #tpu.memory_space<vmem>>)
          "tpu.trace_stop"() : () -> ()
        } else {
        }
        %ne3A_194 = arith.cmpi ne, %add3A_140, %add3A_149 : i32
        %or3A_195 = arith.constant false
        %or3A_196 = arith.ori %or3A_195, %ne3A_194 : i1
        %or3A_197 = arith.constant false
        %or3A_198 = arith.ori %or3A_196, %or3A_197 : i1
        %or3A_199 = arith.ori %or3A_198, %eq3A_137 : i1
        %convert_element_type3A_200 = arith.extui %or3A_199 : i1 to i32
        %cond3A_201 = arith.constant 0 : i32
        %cond3A_202 = arith.cmpi ne, %convert_element_type3A_200, %cond3A_201 : i32
        scf.if %cond3A_202 {
        } else {
        }
        %rem3A_203 = arith.constant 2 : i32
        %rem3A_204 = arith.remui %scan3A_132, %rem3A_203 : i32
        %rem3A_205 = arith.constant 2 : i32
        %rem3A_206 = arith.remui %scan3A_133, %rem3A_205 : i32
        %run_scoped3A_207 = arith.constant 0 : i32
        "tpu.trace_start"() <{level = 10 : i32, message = "ep_run_kernel"}> : () -> ()
        "tpu.region"() ({
          %run_scoped3A_273 = tpu.sem_alloc : memref<!tpu.dma_semaphore, #tpu.memory_space<semaphore_mem>>
          %dma_start3A_274 = arith.constant 0 : i32
          %dma_start3A_275 = arith.constant 0 : i32
          %dma_start3A_276 = tpu.memref_slice %run_scoped3A_17[%rem3A_206, %dma_start3A_274, %dma_start3A_275] : memref<2x256x128xf32, #tpu.memory_space<vmem>> -> memref<1x256x128xf32, #tpu.memory_space<vmem>>
          %dma_start3A_277 = tpu.memref_squeeze %dma_start3A_276 : memref<1x256x128xf32, #tpu.memory_space<vmem>> -> memref<256x128xf32, #tpu.memory_space<vmem>>
          %dma_start3A_278 = arith.constant 0 : i32
          %dma_start3A_279 = arith.constant 0 : i32
          %dma_start3A_280 = tpu.memref_slice %run_scoped3A[%rem3A_204, %dma_start3A_278, %dma_start3A_279] : memref<2x1x256xi32, #tpu.memory_space<vmem>> -> memref<1x1x256xi32, #tpu.memory_space<vmem>>
          %dma_start3A_281 = tpu.memref_squeeze %dma_start3A_280 : memref<1x1x256xi32, #tpu.memory_space<vmem>> -> memref<1x256xi32, #tpu.memory_space<vmem>>
          %dma_start3A_282 = arith.constant 0 : i32
          %dma_start3A_283 = tpu.memref_slice %dma_start3A_281[%run_scoped3A_207, %dma_start3A_282] : memref<1x256xi32, #tpu.memory_space<vmem>> -> memref<1x256xi32, #tpu.memory_space<vmem>>
          %dma_start3A_284 = tpu.memref_squeeze %dma_start3A_283 : memref<1x256xi32, #tpu.memory_space<vmem>> -> memref<256xi32, #tpu.memory_space<vmem>>
          %dma_start3A_285 = arith.constant 0 : i32
          %dma_start3A_286 = arith.constant 0 : i32
          %dma_start3A_287 = tpu.memref_slice %arg4[%dma_start3A_285, %dma_start3A_286] : memref<50176x128xf32, #tpu.memory_space<hbm>> -> memref<50176x128xf32, #tpu.memory_space<hbm>>
          tpu.enqueue_indirect_dma source(%dma_start3A_287 : memref<50176x128xf32, #tpu.memory_space<hbm>>) target(%dma_start3A_277 : memref<256x128xf32, #tpu.memory_space<vmem>>) offsets(%dma_start3A_284 : memref<256xi32, #tpu.memory_space<vmem>>) semaphore(%run_scoped3A_273 : memref<!tpu.dma_semaphore, #tpu.memory_space<semaphore_mem>>)
          %dma_wait3A_288 = arith.constant 0 : i32
          %dma_wait3A_289 = arith.constant 0 : i32
          %dma_wait3A_290 = tpu.memref_slice %run_scoped3A_17[%rem3A_206, %dma_wait3A_288, %dma_wait3A_289] : memref<2x256x128xf32, #tpu.memory_space<vmem>> -> memref<1x256x128xf32, #tpu.memory_space<vmem>>
          %dma_wait3A_291 = tpu.memref_squeeze %dma_wait3A_290 : memref<1x256x128xf32, #tpu.memory_space<vmem>> -> memref<256x128xf32, #tpu.memory_space<vmem>>
          %dma_wait3A_292 = arith.constant 0 : i32
          %dma_wait3A_293 = arith.constant 0 : i32
          %dma_wait3A_294 = tpu.memref_slice %run_scoped3A[%rem3A_204, %dma_wait3A_292, %dma_wait3A_293] : memref<2x1x256xi32, #tpu.memory_space<vmem>> -> memref<1x1x256xi32, #tpu.memory_space<vmem>>
          %dma_wait3A_295 = tpu.memref_squeeze %dma_wait3A_294 : memref<1x1x256xi32, #tpu.memory_space<vmem>> -> memref<1x256xi32, #tpu.memory_space<vmem>>
          %dma_wait3A_296 = arith.constant 0 : i32
          %dma_wait3A_297 = tpu.memref_slice %dma_wait3A_295[%run_scoped3A_207, %dma_wait3A_296] : memref<1x256xi32, #tpu.memory_space<vmem>> -> memref<1x256xi32, #tpu.memory_space<vmem>>
          %dma_wait3A_298 = tpu.memref_squeeze %dma_wait3A_297 : memref<1x256xi32, #tpu.memory_space<vmem>> -> memref<256xi32, #tpu.memory_space<vmem>>
          %dma_wait3A_299 = arith.constant 0 : i32
          %dma_wait3A_300 = arith.constant 0 : i32
          %dma_wait3A_301 = tpu.memref_slice %arg4[%dma_wait3A_299, %dma_wait3A_300] : memref<50176x128xf32, #tpu.memory_space<hbm>> -> memref<50176x128xf32, #tpu.memory_space<hbm>>
          tpu.wait_indirect_dma semaphore(%run_scoped3A_273 : memref<!tpu.dma_semaphore, #tpu.memory_space<semaphore_mem>>) src(%dma_wait3A_301 : memref<50176x128xf32, #tpu.memory_space<hbm>>) dst(%dma_wait3A_291 : memref<256x128xf32, #tpu.memory_space<vmem>>)
          tpu.yield
        }) : () -> ()
        "tpu.trace_stop"() : () -> ()
        %ne3A_208 = arith.cmpi ne, %add3A_140, %add3A_158 : i32
        %or3A_209 = arith.constant false
        %or3A_210 = arith.ori %or3A_209, %ne3A_208 : i1
        %or3A_211 = arith.ori %or3A_210, %eq3A_139 : i1
        %convert_element_type3A_212 = arith.extui %or3A_211 : i1 to i32
        %cond3A_213 = arith.constant 0 : i32
        %cond3A_214 = arith.cmpi ne, %convert_element_type3A_212, %cond3A_213 : i32
        scf.if %cond3A_214 {
        } else {
        }
        %and3A_215 = arith.constant false
        %and3A_216 = arith.andi %or3A_211, %and3A_215 : i1
        %ne3A_217 = arith.cmpi ne, %add3A_140, %add3A_158 : i32
        %or3A_218 = arith.constant false
        %or3A_219 = arith.ori %or3A_218, %ne3A_217 : i1
        %or3A_220 = arith.constant false
        %or3A_221 = arith.ori %or3A_219, %or3A_220 : i1
        %or3A_222 = arith.ori %or3A_221, %eq3A_139 : i1
        %convert_element_type3A_223 = arith.extui %or3A_222 : i1 to i32
        %cond3A_224 = arith.constant 0 : i32
        %cond3A_225 = arith.cmpi ne, %convert_element_type3A_223, %cond3A_224 : i32
        scf.if %cond3A_225 {
          "tpu.trace_start"() <{level = 10 : i32, message = "ep_copy_out"}> : () -> ()
          %rem3A_273 = arith.constant 2 : i32
          %rem3A_274 = arith.remui %scan3A_133, %rem3A_273 : i32
          %mul3A_275 = arith.constant 256 : i32
          %mul3A_276 = arith.muli %mul3A_275, %add3A_140 : i32
          %dma_start3A_277 = arith.constant 0 : i32
          %dma_start3A_278 = arith.constant 0 : i32
          %dma_start3A_279 = tpu.memref_slice %run_scoped3A_17[%rem3A_274, %dma_start3A_277, %dma_start3A_278] : memref<2x256x128xf32, #tpu.memory_space<vmem>> -> memref<1x256x128xf32, #tpu.memory_space<vmem>>
          %dma_start3A_280 = tpu.memref_squeeze %dma_start3A_279 : memref<1x256x128xf32, #tpu.memory_space<vmem>> -> memref<256x128xf32, #tpu.memory_space<vmem>>
          %dma_start3A_281 = arith.constant 0 : i32
          %dma_start3A_282 = tpu.memref_slice %arg5[%mul3A_276, %dma_start3A_281] : memref<16384x128xf32, #tpu.memory_space<hbm>> -> memref<256x128xf32, #tpu.memory_space<hbm>>
          %dma_start3A_283 = tpu.memref_slice %run_scoped3A_18[%rem3A_274] : memref<2x!tpu.dma_semaphore, #tpu.memory_space<semaphore_mem>> -> memref<1x!tpu.dma_semaphore, #tpu.memory_space<semaphore_mem>>
          %dma_start3A_284 = tpu.memref_squeeze %dma_start3A_283 : memref<1x!tpu.dma_semaphore, #tpu.memory_space<semaphore_mem>> -> memref<!tpu.dma_semaphore, #tpu.memory_space<semaphore_mem>>
          %dma_start3A_285 = arith.constant 0 : i32
          %dma_start3A_286 = tpu.memref_slice %arg5[%mul3A_276, %dma_start3A_285] : memref<16384x128xf32, #tpu.memory_space<hbm>> -> memref<256x128xf32, #tpu.memory_space<hbm>>
          %dma_start3A_287 = arith.constant 0 : i32
          %dma_start3A_288 = arith.constant 0 : i32
          %dma_start3A_289 = tpu.memref_slice %run_scoped3A_17[%rem3A_274, %dma_start3A_287, %dma_start3A_288] : memref<2x256x128xf32, #tpu.memory_space<vmem>> -> memref<1x256x128xf32, #tpu.memory_space<vmem>>
          %dma_start3A_290 = tpu.memref_squeeze %dma_start3A_289 : memref<1x256x128xf32, #tpu.memory_space<vmem>> -> memref<256x128xf32, #tpu.memory_space<vmem>>
          tpu.enqueue_dma source(%dma_start3A_290 : memref<256x128xf32, #tpu.memory_space<vmem>>) target(%dma_start3A_286 : memref<256x128xf32, #tpu.memory_space<hbm>>) target_semaphore(%dma_start3A_284 : memref<!tpu.dma_semaphore, #tpu.memory_space<semaphore_mem>>)
          "tpu.trace_stop"() : () -> ()
        } else {
        }
        %and3A_226 = arith.constant true
        %and3A_227 = arith.andi %or3A_222, %and3A_226 : i1
        %add3A_228 = arith.constant 1 : i32
        %add3A_229 = arith.addi %scan3A_133, %add3A_228 : i32
        %select_n3A_230 = arith.select %and3A_227, %add3A_229, %scan3A_133 : i32
        %ne3A_231 = arith.cmpi ne, %add3A_140, %add3A_149 : i32
        %or3A_232 = arith.constant false
        %or3A_233 = arith.ori %or3A_232, %ne3A_231 : i1
        %not3A_234 = arith.constant true
        %not3A_235 = arith.xori %eq3A_137, %not3A_234 : i1
        %and3A_236 = arith.andi %or3A_233, %not3A_235 : i1
        %convert_element_type3A_237 = arith.extui %and3A_236 : i1 to i32
        %cond3A_238 = arith.constant 0 : i32
        %cond3A_239 = arith.cmpi ne, %convert_element_type3A_237, %cond3A_238 : i32
        scf.if %cond3A_239 {
        } else {
        }
        %and3A_240 = arith.constant false
        %and3A_241 = arith.andi %and3A_236, %and3A_240 : i1
        %ne3A_242 = arith.cmpi ne, %add3A_140, %add3A_149 : i32
        %or3A_243 = arith.constant false
        %or3A_244 = arith.ori %or3A_243, %ne3A_242 : i1
        %or3A_245 = arith.constant false
        %or3A_246 = arith.ori %or3A_244, %or3A_245 : i1
        %not3A_247 = arith.constant true
        %not3A_248 = arith.xori %eq3A_137, %not3A_247 : i1
        %and3A_249 = arith.andi %or3A_246, %not3A_248 : i1
        %convert_element_type3A_250 = arith.extui %and3A_249 : i1 to i32
        %cond3A_251 = arith.constant 0 : i32
        %cond3A_252 = arith.cmpi ne, %convert_element_type3A_250, %cond3A_251 : i32
        scf.if %cond3A_252 {
          "tpu.trace_start"() <{level = 10 : i32, message = "ep_wait_out"}> : () -> ()
          %rem3A_273 = arith.constant 2 : i32
          %rem3A_274 = arith.remui %scan3A_134, %rem3A_273 : i32
          %mul3A_275 = arith.constant 256 : i32
          %mul3A_276 = arith.muli %mul3A_275, %add3A_149 : i32
          %dma_wait3A_277 = arith.constant 0 : i32
          %dma_wait3A_278 = arith.constant 0 : i32
          %dma_wait3A_279 = tpu.memref_slice %run_scoped3A_17[%rem3A_274, %dma_wait3A_277, %dma_wait3A_278] : memref<2x256x128xf32, #tpu.memory_space<vmem>> -> memref<1x256x128xf32, #tpu.memory_space<vmem>>
          %dma_wait3A_280 = tpu.memref_squeeze %dma_wait3A_279 : memref<1x256x128xf32, #tpu.memory_space<vmem>> -> memref<256x128xf32, #tpu.memory_space<vmem>>
          %dma_wait3A_281 = arith.constant 0 : i32
          %dma_wait3A_282 = tpu.memref_slice %arg5[%mul3A_276, %dma_wait3A_281] : memref<16384x128xf32, #tpu.memory_space<hbm>> -> memref<256x128xf32, #tpu.memory_space<hbm>>
          %dma_wait3A_283 = tpu.memref_slice %run_scoped3A_18[%rem3A_274] : memref<2x!tpu.dma_semaphore, #tpu.memory_space<semaphore_mem>> -> memref<1x!tpu.dma_semaphore, #tpu.memory_space<semaphore_mem>>
          %dma_wait3A_284 = tpu.memref_squeeze %dma_wait3A_283 : memref<1x!tpu.dma_semaphore, #tpu.memory_space<semaphore_mem>> -> memref<!tpu.dma_semaphore, #tpu.memory_space<semaphore_mem>>
          %dma_wait3A_285 = arith.constant 0 : i32
          %dma_wait3A_286 = tpu.memref_slice %arg5[%mul3A_276, %dma_wait3A_285] : memref<16384x128xf32, #tpu.memory_space<hbm>> -> memref<256x128xf32, #tpu.memory_space<hbm>>
          %dma_wait3A_287 = arith.constant 0 : i32
          %dma_wait3A_288 = arith.constant 0 : i32
          %dma_wait3A_289 = tpu.memref_slice %run_scoped3A_17[%rem3A_274, %dma_wait3A_287, %dma_wait3A_288] : memref<2x256x128xf32, #tpu.memory_space<vmem>> -> memref<1x256x128xf32, #tpu.memory_space<vmem>>
          %dma_wait3A_290 = tpu.memref_squeeze %dma_wait3A_289 : memref<1x256x128xf32, #tpu.memory_space<vmem>> -> memref<256x128xf32, #tpu.memory_space<vmem>>
          tpu.wait_dma2 semaphore(%dma_wait3A_284 : memref<!tpu.dma_semaphore, #tpu.memory_space<semaphore_mem>>) src(%dma_wait3A_290 : memref<256x128xf32, #tpu.memory_space<vmem>>) dst(%dma_wait3A_286 : memref<256x128xf32, #tpu.memory_space<hbm>>)
          "tpu.trace_stop"() : () -> ()
        } else {
        }
        %and3A_253 = arith.constant true
        %and3A_254 = arith.andi %and3A_249, %and3A_253 : i1
        %add3A_255 = arith.constant 1 : i32
        %add3A_256 = arith.addi %scan3A_134, %add3A_255 : i32
        %select_n3A_257 = arith.select %and3A_254, %add3A_256, %scan3A_134 : i32
        %ne3A_258 = arith.cmpi ne, %add3A_140, %add3A_158 : i32
        %or3A_259 = arith.constant false
        %or3A_260 = arith.ori %or3A_259, %ne3A_258 : i1
        %or3A_261 = arith.ori %or3A_260, %eq3A_139 : i1
        %add3A_262 = arith.constant 1 : i32
        %add3A_263 = arith.addi %scan3A_132, %add3A_262 : i32
        %select_n3A_264 = arith.select %or3A_261, %add3A_263, %scan3A_132 : i32
        %add3A_265 = arith.constant 1 : i32
        %add3A_266 = arith.addi %scan3A_135, %add3A_265 : i32
        %select_n3A_267 = arith.constant true
        %select_n3A_268 = arith.select %select_n3A_267, %add3A_266, %scan3A_135 : i32
        %eq3A_269 = arith.constant 2 : i32
        %eq3A_270 = arith.cmpi eq, %select_n3A_268, %eq3A_269 : i32
        %select_n3A_271 = arith.constant 0 : i32
        %select_n3A_272 = arith.select %eq3A_270, %select_n3A_271, %select_n3A_268 : i32
        scf.yield %select_n3A_176, %select_n3A_264, %select_n3A_230, %select_n3A_257, %select_n3A_272 : i32, i32, i32, i32, i32
      }
      %scan3A_77 = arith.constant 2 : i32
      %sub3A = arith.constant 1 : i32
      %sub3A_78 = arith.subi %scan3A_76#4, %sub3A : i32
      %select_n3A_79 = arith.constant true
      %select_n3A_80 = arith.select %select_n3A_79, %sub3A_78, %scan3A_76#4 : i32
      %eq3A_81 = arith.constant -1 : i32
      %eq3A_82 = arith.cmpi eq, %select_n3A_80, %eq3A_81 : i32
      %select_n3A_83 = arith.constant 1 : i32
      %select_n3A_84 = arith.select %eq3A_82, %select_n3A_83, %select_n3A_80 : i32
      %add3A_85 = arith.addi %select_n3A_84, %mul3A_6 : i32
      %sub3A_86 = arith.constant 1 : i32
      %sub3A_87 = arith.subi %select_n3A_84, %sub3A_86 : i32
      %select_n3A_88 = arith.constant true
      %select_n3A_89 = arith.select %select_n3A_88, %sub3A_87, %select_n3A_84 : i32
      %eq3A_90 = arith.constant -1 : i32
      %eq3A_91 = arith.cmpi eq, %select_n3A_89, %eq3A_90 : i32
      %select_n3A_92 = arith.constant 1 : i32
      %select_n3A_93 = arith.select %eq3A_91, %select_n3A_92, %select_n3A_89 : i32
      %add3A_94 = arith.addi %select_n3A_93, %mul3A_6 : i32
      %add3A_95 = arith.constant 1 : i32
      %add3A_96 = arith.addi %select_n3A_84, %add3A_95 : i32
      %select_n3A_97 = arith.constant true
      %select_n3A_98 = arith.select %select_n3A_97, %add3A_96, %select_n3A_84 : i32
      %eq3A_99 = arith.constant 2 : i32
      %eq3A_100 = arith.cmpi eq, %select_n3A_98, %eq3A_99 : i32
      %select_n3A_101 = arith.constant 0 : i32
      %select_n3A_102 = arith.select %eq3A_100, %select_n3A_101, %select_n3A_98 : i32
      %add3A_103 = arith.addi %select_n3A_102, %mul3A_6 : i32
      %add3A_104 = arith.constant 1 : i32
      %add3A_105 = arith.addi %select_n3A_102, %add3A_104 : i32
      %select_n3A_106 = arith.constant true
      %select_n3A_107 = arith.select %select_n3A_106, %add3A_105, %select_n3A_102 : i32
      %eq3A_108 = arith.constant 2 : i32
      %eq3A_109 = arith.cmpi eq, %select_n3A_107, %eq3A_108 : i32
      %select_n3A_110 = arith.constant 0 : i32
      %select_n3A_111 = arith.select %eq3A_109, %select_n3A_110, %select_n3A_107 : i32
      %add3A_112 = arith.addi %select_n3A_111, %mul3A_6 : i32
      "tpu.trace_start"() <{level = 10 : i32, message = "ep_finalize"}> : () -> ()
      %rem3A_113 = arith.constant 2 : i32
      %rem3A_114 = arith.remui %scan3A_76#3, %rem3A_113 : i32
      %mul3A_115 = arith.constant 256 : i32
      %mul3A_116 = arith.muli %mul3A_115, %add3A_85 : i32
      %dma_wait3A = arith.constant 0 : i32
      %dma_wait3A_117 = arith.constant 0 : i32
      %dma_wait3A_118 = tpu.memref_slice %run_scoped3A_17[%rem3A_114, %dma_wait3A, %dma_wait3A_117] : memref<2x256x128xf32, #tpu.memory_space<vmem>> -> memref<1x256x128xf32, #tpu.memory_space<vmem>>
      %dma_wait3A_119 = tpu.memref_squeeze %dma_wait3A_118 : memref<1x256x128xf32, #tpu.memory_space<vmem>> -> memref<256x128xf32, #tpu.memory_space<vmem>>
      %dma_wait3A_120 = arith.constant 0 : i32
      %dma_wait3A_121 = tpu.memref_slice %arg5[%mul3A_116, %dma_wait3A_120] : memref<16384x128xf32, #tpu.memory_space<hbm>> -> memref<256x128xf32, #tpu.memory_space<hbm>>
      %dma_wait3A_122 = tpu.memref_slice %run_scoped3A_18[%rem3A_114] : memref<2x!tpu.dma_semaphore, #tpu.memory_space<semaphore_mem>> -> memref<1x!tpu.dma_semaphore, #tpu.memory_space<semaphore_mem>>
      %dma_wait3A_123 = tpu.memref_squeeze %dma_wait3A_122 : memref<1x!tpu.dma_semaphore, #tpu.memory_space<semaphore_mem>> -> memref<!tpu.dma_semaphore, #tpu.memory_space<semaphore_mem>>
      %dma_wait3A_124 = arith.constant 0 : i32
      %dma_wait3A_125 = tpu.memref_slice %arg5[%mul3A_116, %dma_wait3A_124] : memref<16384x128xf32, #tpu.memory_space<hbm>> -> memref<256x128xf32, #tpu.memory_space<hbm>>
      %dma_wait3A_126 = arith.constant 0 : i32
      %dma_wait3A_127 = arith.constant 0 : i32
      %dma_wait3A_128 = tpu.memref_slice %run_scoped3A_17[%rem3A_114, %dma_wait3A_126, %dma_wait3A_127] : memref<2x256x128xf32, #tpu.memory_space<vmem>> -> memref<1x256x128xf32, #tpu.memory_space<vmem>>
      %dma_wait3A_129 = tpu.memref_squeeze %dma_wait3A_128 : memref<1x256x128xf32, #tpu.memory_space<vmem>> -> memref<256x128xf32, #tpu.memory_space<vmem>>
      tpu.wait_dma2 semaphore(%dma_wait3A_123 : memref<!tpu.dma_semaphore, #tpu.memory_space<semaphore_mem>>) src(%dma_wait3A_129 : memref<256x128xf32, #tpu.memory_space<vmem>>) dst(%dma_wait3A_125 : memref<256x128xf32, #tpu.memory_space<hbm>>)
      "tpu.trace_stop"() : () -> ()
      tpu.yield
    }) : () -> ()
    %mul3A_7 = arith.constant 1 : i32
    %mul3A_8 = arith.muli %arg1, %mul3A_7 : i32
    %add3A_9 = arith.constant 0 : i32
    %add3A_10 = arith.addi %add3A_9, %mul3A_8 : i32
    %mul3A_11 = arith.constant 16 : i32
    %mul3A_12 = arith.muli %arg0, %mul3A_11 : i32
    %add3A_13 = arith.addi %add3A_10, %mul3A_12 : i32
    %mul3A_14 = arith.constant 2 : i32
    %mul3A_15 = arith.muli %add3A_13, %mul3A_14 : i32
    "tpu.region"() ({
      %run_scoped3A = memref.alloca() : memref<2x1x256xi32, #tpu.memory_space<vmem>>
      %run_scoped3A_16 = tpu.sem_alloc : memref<2x!tpu.dma_semaphore, #tpu.memory_space<semaphore_mem>>
      %run_scoped3A_17 = memref.alloca() : memref<2x256x128xf32, #tpu.memory_space<vmem>>
      %run_scoped3A_18 = tpu.sem_alloc : memref<2x!tpu.dma_semaphore, #tpu.memory_space<semaphore_mem>>
      %add3A_19 = arith.constant 0 : i32
      %add3A_20 = arith.addi %add3A_19, %mul3A_15 : i32
      %select_n3A = arith.constant true
      %select_n3A_21 = arith.constant 0 : i32
      %select_n3A_22 = arith.constant -1 : i32
      %select_n3A_23 = arith.select %select_n3A, %select_n3A_22, %select_n3A_21 : i32
      %eq3A = arith.constant -1 : i32
      %eq3A_24 = arith.cmpi eq, %select_n3A_23, %eq3A : i32
      %select_n3A_25 = arith.constant 1 : i32
      %select_n3A_26 = arith.select %eq3A_24, %select_n3A_25, %select_n3A_23 : i32
      %add3A_27 = arith.addi %select_n3A_26, %mul3A_15 : i32
      %select_n3A_28 = arith.constant true
      %select_n3A_29 = arith.constant 0 : i32
      %select_n3A_30 = arith.constant 1 : i32
      %select_n3A_31 = arith.select %select_n3A_28, %select_n3A_30, %select_n3A_29 : i32
      %eq3A_32 = arith.constant 2 : i32
      %eq3A_33 = arith.cmpi eq, %select_n3A_31, %eq3A_32 : i32
      %select_n3A_34 = arith.constant 0 : i32
      %select_n3A_35 = arith.select %eq3A_33, %select_n3A_34, %select_n3A_31 : i32
      %add3A_36 = arith.addi %select_n3A_35, %mul3A_15 : i32
      %add3A_37 = arith.constant 1 : i32
      %add3A_38 = arith.addi %select_n3A_35, %add3A_37 : i32
      %select_n3A_39 = arith.constant true
      %select_n3A_40 = arith.select %select_n3A_39, %add3A_38, %select_n3A_35 : i32
      %eq3A_41 = arith.constant 2 : i32
      %eq3A_42 = arith.cmpi eq, %select_n3A_40, %eq3A_41 : i32
      %select_n3A_43 = arith.constant 0 : i32
      %select_n3A_44 = arith.select %eq3A_42, %select_n3A_43, %select_n3A_40 : i32
      %add3A_45 = arith.addi %select_n3A_44, %mul3A_15 : i32
      "tpu.trace_start"() <{level = 10 : i32, message = "ep_initialize_0"}> : () -> ()
      %rem3A = arith.constant 0 : i32
      %rem3A_46 = arith.constant 2 : i32
      %rem3A_47 = arith.remui %rem3A, %rem3A_46 : i32
      %mul3A_48 = arith.constant 256 : i32
      %mul3A_49 = arith.muli %mul3A_48, %add3A_20 : i32
      %dma_start3A = arith.constant 0 : i32
      %dma_start3A_50 = arith.constant 0 : i32
      %dma_start3A_51 = tpu.memref_slice %run_scoped3A[%rem3A_47, %dma_start3A, %dma_start3A_50] : memref<2x1x256xi32, #tpu.memory_space<vmem>> -> memref<1x1x256xi32, #tpu.memory_space<vmem>>
      %dma_start3A_52 = tpu.memref_squeeze %dma_start3A_51 : memref<1x1x256xi32, #tpu.memory_space<vmem>> -> memref<1x256xi32, #tpu.memory_space<vmem>>
      %dma_start3A_53 = arith.constant 0 : i32
      %dma_start3A_54 = tpu.memref_slice %arg3[%dma_start3A_53, %mul3A_49] : memref<1x16384xi32, #tpu.memory_space<hbm>> -> memref<1x256xi32, #tpu.memory_space<hbm>>
      %dma_start3A_55 = tpu.memref_slice %run_scoped3A_16[%rem3A_47] : memref<2x!tpu.dma_semaphore, #tpu.memory_space<semaphore_mem>> -> memref<1x!tpu.dma_semaphore, #tpu.memory_space<semaphore_mem>>
      %dma_start3A_56 = tpu.memref_squeeze %dma_start3A_55 : memref<1x!tpu.dma_semaphore, #tpu.memory_space<semaphore_mem>> -> memref<!tpu.dma_semaphore, #tpu.memory_space<semaphore_mem>>
      %dma_start3A_57 = arith.constant 0 : i32
      %dma_start3A_58 = arith.constant 0 : i32
      %dma_start3A_59 = tpu.memref_slice %run_scoped3A[%rem3A_47, %dma_start3A_57, %dma_start3A_58] : memref<2x1x256xi32, #tpu.memory_space<vmem>> -> memref<1x1x256xi32, #tpu.memory_space<vmem>>
      %dma_start3A_60 = tpu.memref_squeeze %dma_start3A_59 : memref<1x1x256xi32, #tpu.memory_space<vmem>> -> memref<1x256xi32, #tpu.memory_space<vmem>>
      %dma_start3A_61 = arith.constant 0 : i32
      %dma_start3A_62 = tpu.memref_slice %arg3[%dma_start3A_61, %mul3A_49] : memref<1x16384xi32, #tpu.memory_space<hbm>> -> memref<1x256xi32, #tpu.memory_space<hbm>>
      tpu.enqueue_dma source(%dma_start3A_62 : memref<1x256xi32, #tpu.memory_space<hbm>>) target(%dma_start3A_60 : memref<1x256xi32, #tpu.memory_space<vmem>>) target_semaphore(%dma_start3A_56 : memref<!tpu.dma_semaphore, #tpu.memory_space<semaphore_mem>>)
      %add3A_63 = arith.constant 0 : i32
      %add3A_64 = arith.constant 1 : i32
      %add3A_65 = arith.addi %add3A_63, %add3A_64 : i32
      %select_n3A_66 = arith.constant true
      %select_n3A_67 = arith.constant 0 : i32
      %select_n3A_68 = arith.select %select_n3A_66, %add3A_65, %select_n3A_67 : i32
      "tpu.trace_stop"() : () -> ()
      %scan3A = arith.constant 0 : i32
      %scan3A_69 = arith.constant 0 : i32
      %scan3A_70 = arith.constant 0 : i32
      %scan3A_71 = arith.constant 0 : i32
      %scan3A_72 = arith.constant 0 : i32
      %scan3A_73 = arith.constant 2 : i32
      %scan3A_74 = arith.addi %scan3A_72, %scan3A_73 : i32
      %scan3A_75 = arith.constant 1 : i32
      %scan3A_76:5 = scf.for %scan3A_130 = %scan3A_72 to %scan3A_74 step %scan3A_75 iter_args(%scan3A_131 = %select_n3A_68, %scan3A_132 = %scan3A, %scan3A_133 = %scan3A_69, %scan3A_134 = %scan3A_70, %scan3A_135 = %scan3A_71) -> (i32, i32, i32, i32, i32)  : i32 {
        %eq3A_136 = arith.constant 0 : i32
        %eq3A_137 = arith.cmpi eq, %scan3A_130, %eq3A_136 : i32
        %eq3A_138 = arith.constant 1 : i32
        %eq3A_139 = arith.cmpi eq, %scan3A_130, %eq3A_138 : i32
        %add3A_140 = arith.addi %scan3A_135, %mul3A_15 : i32
        %sub3A_141 = arith.constant 1 : i32
        %sub3A_142 = arith.subi %scan3A_135, %sub3A_141 : i32
        %select_n3A_143 = arith.constant true
        %select_n3A_144 = arith.select %select_n3A_143, %sub3A_142, %scan3A_135 : i32
        %eq3A_145 = arith.constant -1 : i32
        %eq3A_146 = arith.cmpi eq, %select_n3A_144, %eq3A_145 : i32
        %select_n3A_147 = arith.constant 1 : i32
        %select_n3A_148 = arith.select %eq3A_146, %select_n3A_147, %select_n3A_144 : i32
        %add3A_149 = arith.addi %select_n3A_148, %mul3A_15 : i32
        %add3A_150 = arith.constant 1 : i32
        %add3A_151 = arith.addi %scan3A_135, %add3A_150 : i32
        %select_n3A_152 = arith.constant true
        %select_n3A_153 = arith.select %select_n3A_152, %add3A_151, %scan3A_135 : i32
        %eq3A_154 = arith.constant 2 : i32
        %eq3A_155 = arith.cmpi eq, %select_n3A_153, %eq3A_154 : i32
        %select_n3A_156 = arith.constant 0 : i32
        %select_n3A_157 = arith.select %eq3A_155, %select_n3A_156, %select_n3A_153 : i32
        %add3A_158 = arith.addi %select_n3A_157, %mul3A_15 : i32
        %add3A_159 = arith.constant 1 : i32
        %add3A_160 = arith.addi %select_n3A_157, %add3A_159 : i32
        %select_n3A_161 = arith.constant true
        %select_n3A_162 = arith.select %select_n3A_161, %add3A_160, %select_n3A_157 : i32
        %eq3A_163 = arith.constant 2 : i32
        %eq3A_164 = arith.cmpi eq, %select_n3A_162, %eq3A_163 : i32
        %select_n3A_165 = arith.constant 0 : i32
        %select_n3A_166 = arith.select %eq3A_164, %select_n3A_165, %select_n3A_162 : i32
        %add3A_167 = arith.addi %select_n3A_166, %mul3A_15 : i32
        %ne3A = arith.cmpi ne, %add3A_140, %add3A_158 : i32
        %or3A = arith.constant false
        %or3A_168 = arith.ori %or3A, %ne3A : i1
        %ge3A = arith.constant 1 : i32
        %ge3A_169 = arith.cmpi sge, %scan3A_130, %ge3A : i32
        %not3A = arith.constant true
        %not3A_170 = arith.xori %ge3A_169, %not3A : i1
        %and3A = arith.andi %or3A_168, %not3A_170 : i1
        %convert_element_type3A = arith.extui %and3A : i1 to i32
        %cond3A = arith.constant 0 : i32
        %cond3A_171 = arith.cmpi ne, %convert_element_type3A, %cond3A : i32
        scf.if %cond3A_171 {
          "tpu.trace_start"() <{level = 10 : i32, message = "ep_copy_in"}> : () -> ()
          %rem3A_273 = arith.constant 2 : i32
          %rem3A_274 = arith.remui %scan3A_131, %rem3A_273 : i32
          %mul3A_275 = arith.constant 256 : i32
          %mul3A_276 = arith.muli %mul3A_275, %add3A_158 : i32
          %dma_start3A_277 = arith.constant 0 : i32
          %dma_start3A_278 = arith.constant 0 : i32
          %dma_start3A_279 = tpu.memref_slice %run_scoped3A[%rem3A_274, %dma_start3A_277, %dma_start3A_278] : memref<2x1x256xi32, #tpu.memory_space<vmem>> -> memref<1x1x256xi32, #tpu.memory_space<vmem>>
          %dma_start3A_280 = tpu.memref_squeeze %dma_start3A_279 : memref<1x1x256xi32, #tpu.memory_space<vmem>> -> memref<1x256xi32, #tpu.memory_space<vmem>>
          %dma_start3A_281 = arith.constant 0 : i32
          %dma_start3A_282 = tpu.memref_slice %arg3[%dma_start3A_281, %mul3A_276] : memref<1x16384xi32, #tpu.memory_space<hbm>> -> memref<1x256xi32, #tpu.memory_space<hbm>>
          %dma_start3A_283 = tpu.memref_slice %run_scoped3A_16[%rem3A_274] : memref<2x!tpu.dma_semaphore, #tpu.memory_space<semaphore_mem>> -> memref<1x!tpu.dma_semaphore, #tpu.memory_space<semaphore_mem>>
          %dma_start3A_284 = tpu.memref_squeeze %dma_start3A_283 : memref<1x!tpu.dma_semaphore, #tpu.memory_space<semaphore_mem>> -> memref<!tpu.dma_semaphore, #tpu.memory_space<semaphore_mem>>
          %dma_start3A_285 = arith.constant 0 : i32
          %dma_start3A_286 = arith.constant 0 : i32
          %dma_start3A_287 = tpu.memref_slice %run_scoped3A[%rem3A_274, %dma_start3A_285, %dma_start3A_286] : memref<2x1x256xi32, #tpu.memory_space<vmem>> -> memref<1x1x256xi32, #tpu.memory_space<vmem>>
          %dma_start3A_288 = tpu.memref_squeeze %dma_start3A_287 : memref<1x1x256xi32, #tpu.memory_space<vmem>> -> memref<1x256xi32, #tpu.memory_space<vmem>>
          %dma_start3A_289 = arith.constant 0 : i32
          %dma_start3A_290 = tpu.memref_slice %arg3[%dma_start3A_289, %mul3A_276] : memref<1x16384xi32, #tpu.memory_space<hbm>> -> memref<1x256xi32, #tpu.memory_space<hbm>>
          tpu.enqueue_dma source(%dma_start3A_290 : memref<1x256xi32, #tpu.memory_space<hbm>>) target(%dma_start3A_288 : memref<1x256xi32, #tpu.memory_space<vmem>>) target_semaphore(%dma_start3A_284 : memref<!tpu.dma_semaphore, #tpu.memory_space<semaphore_mem>>)
          "tpu.trace_stop"() : () -> ()
        } else {
        }
        %and3A_172 = arith.constant true
        %and3A_173 = arith.andi %and3A, %and3A_172 : i1
        %add3A_174 = arith.constant 1 : i32
        %add3A_175 = arith.addi %scan3A_131, %add3A_174 : i32
        %select_n3A_176 = arith.select %and3A_173, %add3A_175, %scan3A_131 : i32
        %ne3A_177 = arith.cmpi ne, %add3A_140, %add3A_158 : i32
        %or3A_178 = arith.constant false
        %or3A_179 = arith.ori %or3A_178, %ne3A_177 : i1
        %or3A_180 = arith.constant false
        %or3A_181 = arith.ori %or3A_179, %or3A_180 : i1
        %ge3A_182 = arith.constant 1 : i32
        %ge3A_183 = arith.cmpi sge, %scan3A_130, %ge3A_182 : i32
        %not3A_184 = arith.constant true
        %not3A_185 = arith.xori %ge3A_183, %not3A_184 : i1
        %and3A_186 = arith.andi %or3A_181, %not3A_185 : i1
        %ne3A_187 = arith.cmpi ne, %add3A_140, %add3A_149 : i32
        %or3A_188 = arith.constant false
        %or3A_189 = arith.ori %or3A_188, %ne3A_187 : i1
        %or3A_190 = arith.ori %or3A_189, %eq3A_137 : i1
        %convert_element_type3A_191 = arith.extui %or3A_190 : i1 to i32
        %cond3A_192 = arith.constant 0 : i32
        %cond3A_193 = arith.cmpi ne, %convert_element_type3A_191, %cond3A_192 : i32
        scf.if %cond3A_193 {
          "tpu.trace_start"() <{level = 10 : i32, message = "ep_wait_in"}> : () -> ()
          %mul3A_273 = arith.constant 256 : i32
          %mul3A_274 = arith.muli %mul3A_273, %add3A_140 : i32
          %rem3A_275 = arith.constant 2 : i32
          %rem3A_276 = arith.remui %scan3A_132, %rem3A_275 : i32
          %dma_wait3A_277 = arith.constant 0 : i32
          %dma_wait3A_278 = arith.constant 0 : i32
          %dma_wait3A_279 = tpu.memref_slice %run_scoped3A[%rem3A_276, %dma_wait3A_277, %dma_wait3A_278] : memref<2x1x256xi32, #tpu.memory_space<vmem>> -> memref<1x1x256xi32, #tpu.memory_space<vmem>>
          %dma_wait3A_280 = tpu.memref_squeeze %dma_wait3A_279 : memref<1x1x256xi32, #tpu.memory_space<vmem>> -> memref<1x256xi32, #tpu.memory_space<vmem>>
          %dma_wait3A_281 = arith.constant 0 : i32
          %dma_wait3A_282 = tpu.memref_slice %arg3[%dma_wait3A_281, %mul3A_274] : memref<1x16384xi32, #tpu.memory_space<hbm>> -> memref<1x256xi32, #tpu.memory_space<hbm>>
          %dma_wait3A_283 = tpu.memref_slice %run_scoped3A_16[%rem3A_276] : memref<2x!tpu.dma_semaphore, #tpu.memory_space<semaphore_mem>> -> memref<1x!tpu.dma_semaphore, #tpu.memory_space<semaphore_mem>>
          %dma_wait3A_284 = tpu.memref_squeeze %dma_wait3A_283 : memref<1x!tpu.dma_semaphore, #tpu.memory_space<semaphore_mem>> -> memref<!tpu.dma_semaphore, #tpu.memory_space<semaphore_mem>>
          %dma_wait3A_285 = arith.constant 0 : i32
          %dma_wait3A_286 = arith.constant 0 : i32
          %dma_wait3A_287 = tpu.memref_slice %run_scoped3A[%rem3A_276, %dma_wait3A_285, %dma_wait3A_286] : memref<2x1x256xi32, #tpu.memory_space<vmem>> -> memref<1x1x256xi32, #tpu.memory_space<vmem>>
          %dma_wait3A_288 = tpu.memref_squeeze %dma_wait3A_287 : memref<1x1x256xi32, #tpu.memory_space<vmem>> -> memref<1x256xi32, #tpu.memory_space<vmem>>
          %dma_wait3A_289 = arith.constant 0 : i32
          %dma_wait3A_290 = tpu.memref_slice %arg3[%dma_wait3A_289, %mul3A_274] : memref<1x16384xi32, #tpu.memory_space<hbm>> -> memref<1x256xi32, #tpu.memory_space<hbm>>
          tpu.wait_dma2 semaphore(%dma_wait3A_284 : memref<!tpu.dma_semaphore, #tpu.memory_space<semaphore_mem>>) src(%dma_wait3A_290 : memref<1x256xi32, #tpu.memory_space<hbm>>) dst(%dma_wait3A_288 : memref<1x256xi32, #tpu.memory_space<vmem>>)
          "tpu.trace_stop"() : () -> ()
        } else {
        }
        %ne3A_194 = arith.cmpi ne, %add3A_140, %add3A_149 : i32
        %or3A_195 = arith.constant false
        %or3A_196 = arith.ori %or3A_195, %ne3A_194 : i1
        %or3A_197 = arith.constant false
        %or3A_198 = arith.ori %or3A_196, %or3A_197 : i1
        %or3A_199 = arith.ori %or3A_198, %eq3A_137 : i1
        %convert_element_type3A_200 = arith.extui %or3A_199 : i1 to i32
        %cond3A_201 = arith.constant 0 : i32
        %cond3A_202 = arith.cmpi ne, %convert_element_type3A_200, %cond3A_201 : i32
        scf.if %cond3A_202 {
        } else {
        }
        %rem3A_203 = arith.constant 2 : i32
        %rem3A_204 = arith.remui %scan3A_132, %rem3A_203 : i32
        %rem3A_205 = arith.constant 2 : i32
        %rem3A_206 = arith.remui %scan3A_133, %rem3A_205 : i32
        %run_scoped3A_207 = arith.constant 0 : i32
        "tpu.trace_start"() <{level = 10 : i32, message = "ep_run_kernel"}> : () -> ()
        "tpu.region"() ({
          %run_scoped3A_273 = tpu.sem_alloc : memref<!tpu.dma_semaphore, #tpu.memory_space<semaphore_mem>>
          %dma_start3A_274 = arith.constant 0 : i32
          %dma_start3A_275 = arith.constant 0 : i32
          %dma_start3A_276 = tpu.memref_slice %run_scoped3A_17[%rem3A_206, %dma_start3A_274, %dma_start3A_275] : memref<2x256x128xf32, #tpu.memory_space<vmem>> -> memref<1x256x128xf32, #tpu.memory_space<vmem>>
          %dma_start3A_277 = tpu.memref_squeeze %dma_start3A_276 : memref<1x256x128xf32, #tpu.memory_space<vmem>> -> memref<256x128xf32, #tpu.memory_space<vmem>>
          %dma_start3A_278 = arith.constant 0 : i32
          %dma_start3A_279 = arith.constant 0 : i32
          %dma_start3A_280 = tpu.memref_slice %run_scoped3A[%rem3A_204, %dma_start3A_278, %dma_start3A_279] : memref<2x1x256xi32, #tpu.memory_space<vmem>> -> memref<1x1x256xi32, #tpu.memory_space<vmem>>
          %dma_start3A_281 = tpu.memref_squeeze %dma_start3A_280 : memref<1x1x256xi32, #tpu.memory_space<vmem>> -> memref<1x256xi32, #tpu.memory_space<vmem>>
          %dma_start3A_282 = arith.constant 0 : i32
          %dma_start3A_283 = tpu.memref_slice %dma_start3A_281[%run_scoped3A_207, %dma_start3A_282] : memref<1x256xi32, #tpu.memory_space<vmem>> -> memref<1x256xi32, #tpu.memory_space<vmem>>
          %dma_start3A_284 = tpu.memref_squeeze %dma_start3A_283 : memref<1x256xi32, #tpu.memory_space<vmem>> -> memref<256xi32, #tpu.memory_space<vmem>>
          %dma_start3A_285 = arith.constant 0 : i32
          %dma_start3A_286 = arith.constant 0 : i32
          %dma_start3A_287 = tpu.memref_slice %arg4[%dma_start3A_285, %dma_start3A_286] : memref<50176x128xf32, #tpu.memory_space<hbm>> -> memref<50176x128xf32, #tpu.memory_space<hbm>>
          tpu.enqueue_indirect_dma source(%dma_start3A_287 : memref<50176x128xf32, #tpu.memory_space<hbm>>) target(%dma_start3A_277 : memref<256x128xf32, #tpu.memory_space<vmem>>) offsets(%dma_start3A_284 : memref<256xi32, #tpu.memory_space<vmem>>) semaphore(%run_scoped3A_273 : memref<!tpu.dma_semaphore, #tpu.memory_space<semaphore_mem>>)
          %dma_wait3A_288 = arith.constant 0 : i32
          %dma_wait3A_289 = arith.constant 0 : i32
          %dma_wait3A_290 = tpu.memref_slice %run_scoped3A_17[%rem3A_206, %dma_wait3A_288, %dma_wait3A_289] : memref<2x256x128xf32, #tpu.memory_space<vmem>> -> memref<1x256x128xf32, #tpu.memory_space<vmem>>
          %dma_wait3A_291 = tpu.memref_squeeze %dma_wait3A_290 : memref<1x256x128xf32, #tpu.memory_space<vmem>> -> memref<256x128xf32, #tpu.memory_space<vmem>>
          %dma_wait3A_292 = arith.constant 0 : i32
          %dma_wait3A_293 = arith.constant 0 : i32
          %dma_wait3A_294 = tpu.memref_slice %run_scoped3A[%rem3A_204, %dma_wait3A_292, %dma_wait3A_293] : memref<2x1x256xi32, #tpu.memory_space<vmem>> -> memref<1x1x256xi32, #tpu.memory_space<vmem>>
          %dma_wait3A_295 = tpu.memref_squeeze %dma_wait3A_294 : memref<1x1x256xi32, #tpu.memory_space<vmem>> -> memref<1x256xi32, #tpu.memory_space<vmem>>
          %dma_wait3A_296 = arith.constant 0 : i32
          %dma_wait3A_297 = tpu.memref_slice %dma_wait3A_295[%run_scoped3A_207, %dma_wait3A_296] : memref<1x256xi32, #tpu.memory_space<vmem>> -> memref<1x256xi32, #tpu.memory_space<vmem>>
          %dma_wait3A_298 = tpu.memref_squeeze %dma_wait3A_297 : memref<1x256xi32, #tpu.memory_space<vmem>> -> memref<256xi32, #tpu.memory_space<vmem>>
          %dma_wait3A_299 = arith.constant 0 : i32
          %dma_wait3A_300 = arith.constant 0 : i32
          %dma_wait3A_301 = tpu.memref_slice %arg4[%dma_wait3A_299, %dma_wait3A_300] : memref<50176x128xf32, #tpu.memory_space<hbm>> -> memref<50176x128xf32, #tpu.memory_space<hbm>>
          tpu.wait_indirect_dma semaphore(%run_scoped3A_273 : memref<!tpu.dma_semaphore, #tpu.memory_space<semaphore_mem>>) src(%dma_wait3A_301 : memref<50176x128xf32, #tpu.memory_space<hbm>>) dst(%dma_wait3A_291 : memref<256x128xf32, #tpu.memory_space<vmem>>)
          tpu.yield
        }) : () -> ()
        "tpu.trace_stop"() : () -> ()
        %ne3A_208 = arith.cmpi ne, %add3A_140, %add3A_158 : i32
        %or3A_209 = arith.constant false
        %or3A_210 = arith.ori %or3A_209, %ne3A_208 : i1
        %or3A_211 = arith.ori %or3A_210, %eq3A_139 : i1
        %convert_element_type3A_212 = arith.extui %or3A_211 : i1 to i32
        %cond3A_213 = arith.constant 0 : i32
        %cond3A_214 = arith.cmpi ne, %convert_element_type3A_212, %cond3A_213 : i32
        scf.if %cond3A_214 {
        } else {
        }
        %and3A_215 = arith.constant false
        %and3A_216 = arith.andi %or3A_211, %and3A_215 : i1
        %ne3A_217 = arith.cmpi ne, %add3A_140, %add3A_158 : i32
        %or3A_218 = arith.constant false
        %or3A_219 = arith.ori %or3A_218, %ne3A_217 : i1
        %or3A_220 = arith.constant false
        %or3A_221 = arith.ori %or3A_219, %or3A_220 : i1
        %or3A_222 = arith.ori %or3A_221, %eq3A_139 : i1
        %convert_element_type3A_223 = arith.extui %or3A_222 : i1 to i32
        %cond3A_224 = arith.constant 0 : i32
        %cond3A_225 = arith.cmpi ne, %convert_element_type3A_223, %cond3A_224 : i32
        scf.if %cond3A_225 {
          "tpu.trace_start"() <{level = 10 : i32, message = "ep_copy_out"}> : () -> ()
          %rem3A_273 = arith.constant 2 : i32
          %rem3A_274 = arith.remui %scan3A_133, %rem3A_273 : i32
          %mul3A_275 = arith.constant 256 : i32
          %mul3A_276 = arith.muli %mul3A_275, %add3A_140 : i32
          %dma_start3A_277 = arith.constant 0 : i32
          %dma_start3A_278 = arith.constant 0 : i32
          %dma_start3A_279 = tpu.memref_slice %run_scoped3A_17[%rem3A_274, %dma_start3A_277, %dma_start3A_278] : memref<2x256x128xf32, #tpu.memory_space<vmem>> -> memref<1x256x128xf32, #tpu.memory_space<vmem>>
          %dma_start3A_280 = tpu.memref_squeeze %dma_start3A_279 : memref<1x256x128xf32, #tpu.memory_space<vmem>> -> memref<256x128xf32, #tpu.memory_space<vmem>>
          %dma_start3A_281 = arith.constant 0 : i32
          %dma_start3A_282 = tpu.memref_slice %arg6[%mul3A_276, %dma_start3A_281] : memref<16384x128xf32, #tpu.memory_space<hbm>> -> memref<256x128xf32, #tpu.memory_space<hbm>>
          %dma_start3A_283 = tpu.memref_slice %run_scoped3A_18[%rem3A_274] : memref<2x!tpu.dma_semaphore, #tpu.memory_space<semaphore_mem>> -> memref<1x!tpu.dma_semaphore, #tpu.memory_space<semaphore_mem>>
          %dma_start3A_284 = tpu.memref_squeeze %dma_start3A_283 : memref<1x!tpu.dma_semaphore, #tpu.memory_space<semaphore_mem>> -> memref<!tpu.dma_semaphore, #tpu.memory_space<semaphore_mem>>
          %dma_start3A_285 = arith.constant 0 : i32
          %dma_start3A_286 = tpu.memref_slice %arg6[%mul3A_276, %dma_start3A_285] : memref<16384x128xf32, #tpu.memory_space<hbm>> -> memref<256x128xf32, #tpu.memory_space<hbm>>
          %dma_start3A_287 = arith.constant 0 : i32
          %dma_start3A_288 = arith.constant 0 : i32
          %dma_start3A_289 = tpu.memref_slice %run_scoped3A_17[%rem3A_274, %dma_start3A_287, %dma_start3A_288] : memref<2x256x128xf32, #tpu.memory_space<vmem>> -> memref<1x256x128xf32, #tpu.memory_space<vmem>>
          %dma_start3A_290 = tpu.memref_squeeze %dma_start3A_289 : memref<1x256x128xf32, #tpu.memory_space<vmem>> -> memref<256x128xf32, #tpu.memory_space<vmem>>
          tpu.enqueue_dma source(%dma_start3A_290 : memref<256x128xf32, #tpu.memory_space<vmem>>) target(%dma_start3A_286 : memref<256x128xf32, #tpu.memory_space<hbm>>) target_semaphore(%dma_start3A_284 : memref<!tpu.dma_semaphore, #tpu.memory_space<semaphore_mem>>)
          "tpu.trace_stop"() : () -> ()
        } else {
        }
        %and3A_226 = arith.constant true
        %and3A_227 = arith.andi %or3A_222, %and3A_226 : i1
        %add3A_228 = arith.constant 1 : i32
        %add3A_229 = arith.addi %scan3A_133, %add3A_228 : i32
        %select_n3A_230 = arith.select %and3A_227, %add3A_229, %scan3A_133 : i32
        %ne3A_231 = arith.cmpi ne, %add3A_140, %add3A_149 : i32
        %or3A_232 = arith.constant false
        %or3A_233 = arith.ori %or3A_232, %ne3A_231 : i1
        %not3A_234 = arith.constant true
        %not3A_235 = arith.xori %eq3A_137, %not3A_234 : i1
        %and3A_236 = arith.andi %or3A_233, %not3A_235 : i1
        %convert_element_type3A_237 = arith.extui %and3A_236 : i1 to i32
        %cond3A_238 = arith.constant 0 : i32
        %cond3A_239 = arith.cmpi ne, %convert_element_type3A_237, %cond3A_238 : i32
        scf.if %cond3A_239 {
        } else {
        }
        %and3A_240 = arith.constant false
        %and3A_241 = arith.andi %and3A_236, %and3A_240 : i1
        %ne3A_242 = arith.cmpi ne, %add3A_140, %add3A_149 : i32
        %or3A_243 = arith.constant false
        %or3A_244 = arith.ori %or3A_243, %ne3A_242 : i1
        %or3A_245 = arith.constant false
        %or3A_246 = arith.ori %or3A_244, %or3A_245 : i1
        %not3A_247 = arith.constant true
        %not3A_248 = arith.xori %eq3A_137, %not3A_247 : i1
        %and3A_249 = arith.andi %or3A_246, %not3A_248 : i1
        %convert_element_type3A_250 = arith.extui %and3A_249 : i1 to i32
        %cond3A_251 = arith.constant 0 : i32
        %cond3A_252 = arith.cmpi ne, %convert_element_type3A_250, %cond3A_251 : i32
        scf.if %cond3A_252 {
          "tpu.trace_start"() <{level = 10 : i32, message = "ep_wait_out"}> : () -> ()
          %rem3A_273 = arith.constant 2 : i32
          %rem3A_274 = arith.remui %scan3A_134, %rem3A_273 : i32
          %mul3A_275 = arith.constant 256 : i32
          %mul3A_276 = arith.muli %mul3A_275, %add3A_149 : i32
          %dma_wait3A_277 = arith.constant 0 : i32
          %dma_wait3A_278 = arith.constant 0 : i32
          %dma_wait3A_279 = tpu.memref_slice %run_scoped3A_17[%rem3A_274, %dma_wait3A_277, %dma_wait3A_278] : memref<2x256x128xf32, #tpu.memory_space<vmem>> -> memref<1x256x128xf32, #tpu.memory_space<vmem>>
          %dma_wait3A_280 = tpu.memref_squeeze %dma_wait3A_279 : memref<1x256x128xf32, #tpu.memory_space<vmem>> -> memref<256x128xf32, #tpu.memory_space<vmem>>
          %dma_wait3A_281 = arith.constant 0 : i32
          %dma_wait3A_282 = tpu.memref_slice %arg6[%mul3A_276, %dma_wait3A_281] : memref<16384x128xf32, #tpu.memory_space<hbm>> -> memref<256x128xf32, #tpu.memory_space<hbm>>
          %dma_wait3A_283 = tpu.memref_slice %run_scoped3A_18[%rem3A_274] : memref<2x!tpu.dma_semaphore, #tpu.memory_space<semaphore_mem>> -> memref<1x!tpu.dma_semaphore, #tpu.memory_space<semaphore_mem>>
          %dma_wait3A_284 = tpu.memref_squeeze %dma_wait3A_283 : memref<1x!tpu.dma_semaphore, #tpu.memory_space<semaphore_mem>> -> memref<!tpu.dma_semaphore, #tpu.memory_space<semaphore_mem>>
          %dma_wait3A_285 = arith.constant 0 : i32
          %dma_wait3A_286 = tpu.memref_slice %arg6[%mul3A_276, %dma_wait3A_285] : memref<16384x128xf32, #tpu.memory_space<hbm>> -> memref<256x128xf32, #tpu.memory_space<hbm>>
          %dma_wait3A_287 = arith.constant 0 : i32
          %dma_wait3A_288 = arith.constant 0 : i32
          %dma_wait3A_289 = tpu.memref_slice %run_scoped3A_17[%rem3A_274, %dma_wait3A_287, %dma_wait3A_288] : memref<2x256x128xf32, #tpu.memory_space<vmem>> -> memref<1x256x128xf32, #tpu.memory_space<vmem>>
          %dma_wait3A_290 = tpu.memref_squeeze %dma_wait3A_289 : memref<1x256x128xf32, #tpu.memory_space<vmem>> -> memref<256x128xf32, #tpu.memory_space<vmem>>
          tpu.wait_dma2 semaphore(%dma_wait3A_284 : memref<!tpu.dma_semaphore, #tpu.memory_space<semaphore_mem>>) src(%dma_wait3A_290 : memref<256x128xf32, #tpu.memory_space<vmem>>) dst(%dma_wait3A_286 : memref<256x128xf32, #tpu.memory_space<hbm>>)
          "tpu.trace_stop"() : () -> ()
        } else {
        }
        %and3A_253 = arith.constant true
        %and3A_254 = arith.andi %and3A_249, %and3A_253 : i1
        %add3A_255 = arith.constant 1 : i32
        %add3A_256 = arith.addi %scan3A_134, %add3A_255 : i32
        %select_n3A_257 = arith.select %and3A_254, %add3A_256, %scan3A_134 : i32
        %ne3A_258 = arith.cmpi ne, %add3A_140, %add3A_158 : i32
        %or3A_259 = arith.constant false
        %or3A_260 = arith.ori %or3A_259, %ne3A_258 : i1
        %or3A_261 = arith.ori %or3A_260, %eq3A_139 : i1
        %add3A_262 = arith.constant 1 : i32
        %add3A_263 = arith.addi %scan3A_132, %add3A_262 : i32
        %select_n3A_264 = arith.select %or3A_261, %add3A_263, %scan3A_132 : i32
        %add3A_265 = arith.constant 1 : i32
        %add3A_266 = arith.addi %scan3A_135, %add3A_265 : i32
        %select_n3A_267 = arith.constant true
        %select_n3A_268 = arith.select %select_n3A_267, %add3A_266, %scan3A_135 : i32
        %eq3A_269 = arith.constant 2 : i32
        %eq3A_270 = arith.cmpi eq, %select_n3A_268, %eq3A_269 : i32
        %select_n3A_271 = arith.constant 0 : i32
        %select_n3A_272 = arith.select %eq3A_270, %select_n3A_271, %select_n3A_268 : i32
        scf.yield %select_n3A_176, %select_n3A_264, %select_n3A_230, %select_n3A_257, %select_n3A_272 : i32, i32, i32, i32, i32
      }
      %scan3A_77 = arith.constant 2 : i32
      %sub3A = arith.constant 1 : i32
      %sub3A_78 = arith.subi %scan3A_76#4, %sub3A : i32
      %select_n3A_79 = arith.constant true
      %select_n3A_80 = arith.select %select_n3A_79, %sub3A_78, %scan3A_76#4 : i32
      %eq3A_81 = arith.constant -1 : i32
      %eq3A_82 = arith.cmpi eq, %select_n3A_80, %eq3A_81 : i32
      %select_n3A_83 = arith.constant 1 : i32
      %select_n3A_84 = arith.select %eq3A_82, %select_n3A_83, %select_n3A_80 : i32
      %add3A_85 = arith.addi %select_n3A_84, %mul3A_15 : i32
      %sub3A_86 = arith.constant 1 : i32
      %sub3A_87 = arith.subi %select_n3A_84, %sub3A_86 : i32
      %select_n3A_88 = arith.constant true
      %select_n3A_89 = arith.select %select_n3A_88, %sub3A_87, %select_n3A_84 : i32
      %eq3A_90 = arith.constant -1 : i32
      %eq3A_91 = arith.cmpi eq, %select_n3A_89, %eq3A_90 : i32
      %select_n3A_92 = arith.constant 1 : i32
      %select_n3A_93 = arith.select %eq3A_91, %select_n3A_92, %select_n3A_89 : i32
      %add3A_94 = arith.addi %select_n3A_93, %mul3A_15 : i32
      %add3A_95 = arith.constant 1 : i32
      %add3A_96 = arith.addi %select_n3A_84, %add3A_95 : i32
      %select_n3A_97 = arith.constant true
      %select_n3A_98 = arith.select %select_n3A_97, %add3A_96, %select_n3A_84 : i32
      %eq3A_99 = arith.constant 2 : i32
      %eq3A_100 = arith.cmpi eq, %select_n3A_98, %eq3A_99 : i32
      %select_n3A_101 = arith.constant 0 : i32
      %select_n3A_102 = arith.select %eq3A_100, %select_n3A_101, %select_n3A_98 : i32
      %add3A_103 = arith.addi %select_n3A_102, %mul3A_15 : i32
      %add3A_104 = arith.constant 1 : i32
      %add3A_105 = arith.addi %select_n3A_102, %add3A_104 : i32
      %select_n3A_106 = arith.constant true
      %select_n3A_107 = arith.select %select_n3A_106, %add3A_105, %select_n3A_102 : i32
      %eq3A_108 = arith.constant 2 : i32
      %eq3A_109 = arith.cmpi eq, %select_n3A_107, %eq3A_108 : i32
      %select_n3A_110 = arith.constant 0 : i32
      %select_n3A_111 = arith.select %eq3A_109, %select_n3A_110, %select_n3A_107 : i32
      %add3A_112 = arith.addi %select_n3A_111, %mul3A_15 : i32
      "tpu.trace_start"() <{level = 10 : i32, message = "ep_finalize"}> : () -> ()
      %rem3A_113 = arith.constant 2 : i32
      %rem3A_114 = arith.remui %scan3A_76#3, %rem3A_113 : i32
      %mul3A_115 = arith.constant 256 : i32
      %mul3A_116 = arith.muli %mul3A_115, %add3A_85 : i32
      %dma_wait3A = arith.constant 0 : i32
      %dma_wait3A_117 = arith.constant 0 : i32
      %dma_wait3A_118 = tpu.memref_slice %run_scoped3A_17[%rem3A_114, %dma_wait3A, %dma_wait3A_117] : memref<2x256x128xf32, #tpu.memory_space<vmem>> -> memref<1x256x128xf32, #tpu.memory_space<vmem>>
      %dma_wait3A_119 = tpu.memref_squeeze %dma_wait3A_118 : memref<1x256x128xf32, #tpu.memory_space<vmem>> -> memref<256x128xf32, #tpu.memory_space<vmem>>
      %dma_wait3A_120 = arith.constant 0 : i32
      %dma_wait3A_121 = tpu.memref_slice %arg6[%mul3A_116, %dma_wait3A_120] : memref<16384x128xf32, #tpu.memory_space<hbm>> -> memref<256x128xf32, #tpu.memory_space<hbm>>
      %dma_wait3A_122 = tpu.memref_slice %run_scoped3A_18[%rem3A_114] : memref<2x!tpu.dma_semaphore, #tpu.memory_space<semaphore_mem>> -> memref<1x!tpu.dma_semaphore, #tpu.memory_space<semaphore_mem>>
      %dma_wait3A_123 = tpu.memref_squeeze %dma_wait3A_122 : memref<1x!tpu.dma_semaphore, #tpu.memory_space<semaphore_mem>> -> memref<!tpu.dma_semaphore, #tpu.memory_space<semaphore_mem>>
      %dma_wait3A_124 = arith.constant 0 : i32
      %dma_wait3A_125 = tpu.memref_slice %arg6[%mul3A_116, %dma_wait3A_124] : memref<16384x128xf32, #tpu.memory_space<hbm>> -> memref<256x128xf32, #tpu.memory_space<hbm>>
      %dma_wait3A_126 = arith.constant 0 : i32
      %dma_wait3A_127 = arith.constant 0 : i32
      %dma_wait3A_128 = tpu.memref_slice %run_scoped3A_17[%rem3A_114, %dma_wait3A_126, %dma_wait3A_127] : memref<2x256x128xf32, #tpu.memory_space<vmem>> -> memref<1x256x128xf32, #tpu.memory_space<vmem>>
      %dma_wait3A_129 = tpu.memref_squeeze %dma_wait3A_128 : memref<1x256x128xf32, #tpu.memory_space<vmem>> -> memref<256x128xf32, #tpu.memory_space<vmem>>
      tpu.wait_dma2 semaphore(%dma_wait3A_123 : memref<!tpu.dma_semaphore, #tpu.memory_space<semaphore_mem>>) src(%dma_wait3A_129 : memref<256x128xf32, #tpu.memory_space<vmem>>) dst(%dma_wait3A_125 : memref<256x128xf32, #tpu.memory_space<hbm>>)
      "tpu.trace_stop"() : () -> ()
      tpu.yield
    }) : () -> ()
    return
  }
}

#map = affine_map<(d0, d1) -> (0, 0)>
module attributes {stable_mosaic.version = 14 : i64} {
  func.func @gather_mlp(%arg0: i32, %arg1: i32, %arg2: memref<1x16384xi32, #tpu.memory_space<hbm>>, %arg3: memref<1x16384xi32, #tpu.memory_space<hbm>>, %arg4: memref<100000x128xf32, #tpu.memory_space<hbm>>, %arg5: memref<100000x128xf32, #tpu.memory_space<hbm>>, %arg6: memref<16384x128xf32, #tpu.memory_space<hbm>>, %arg7: memref<16384x128xf32, #tpu.memory_space<hbm>>) attributes {dimension_semantics = [#tpu.dimension_semantics<core_parallel>, #tpu.dimension_semantics<subcore_parallel>], iteration_bounds = array<i64: 2, 16>, scalar_prefetch = 0 : i64, scratch_operands = 0 : i64, tpu.core_type = #tpu.core_type<sc_vector_subcore>, window_params = [{transform_indices = #map}, {transform_indices = #map}, {transform_indices = #map}, {transform_indices = #map}, {transform_indices = #map}, {transform_indices = #map}]} {
    %mul3A = arith.constant 1 : i32
    %mul3A_0 = arith.muli %arg1, %mul3A : i32
    %add3A = arith.constant 0 : i32
    %add3A_1 = arith.addi %add3A, %mul3A_0 : i32
    %mul3A_2 = arith.constant 16 : i32
    %mul3A_3 = arith.muli %arg0, %mul3A_2 : i32
    %add3A_4 = arith.addi %add3A_1, %mul3A_3 : i32
    %mul3A_5 = arith.constant 2 : i32
    %mul3A_6 = arith.muli %add3A_4, %mul3A_5 : i32
    "tpu.region"() ({
      %run_scoped3A = memref.alloca() : memref<2x1x256xi32, #tpu.memory_space<vmem>>
      %run_scoped3A_16 = tpu.sem_alloc : memref<2x!tpu.dma_semaphore, #tpu.memory_space<semaphore_mem>>
      %run_scoped3A_17 = memref.alloca() : memref<2x256x128xf32, #tpu.memory_space<vmem>>
      %run_scoped3A_18 = tpu.sem_alloc : memref<2x!tpu.dma_semaphore, #tpu.memory_space<semaphore_mem>>
      %add3A_19 = arith.constant 0 : i32
      %add3A_20 = arith.addi %add3A_19, %mul3A_6 : i32
      %select_n3A = arith.constant true
      %select_n3A_21 = arith.constant 0 : i32
      %select_n3A_22 = arith.constant -1 : i32
      %select_n3A_23 = arith.select %select_n3A, %select_n3A_22, %select_n3A_21 : i32
      %eq3A = arith.constant -1 : i32
      %eq3A_24 = arith.cmpi eq, %select_n3A_23, %eq3A : i32
      %select_n3A_25 = arith.constant 1 : i32
      %select_n3A_26 = arith.select %eq3A_24, %select_n3A_25, %select_n3A_23 : i32
      %add3A_27 = arith.addi %select_n3A_26, %mul3A_6 : i32
      %select_n3A_28 = arith.constant true
      %select_n3A_29 = arith.constant 0 : i32
      %select_n3A_30 = arith.constant 1 : i32
      %select_n3A_31 = arith.select %select_n3A_28, %select_n3A_30, %select_n3A_29 : i32
      %eq3A_32 = arith.constant 2 : i32
      %eq3A_33 = arith.cmpi eq, %select_n3A_31, %eq3A_32 : i32
      %select_n3A_34 = arith.constant 0 : i32
      %select_n3A_35 = arith.select %eq3A_33, %select_n3A_34, %select_n3A_31 : i32
      %add3A_36 = arith.addi %select_n3A_35, %mul3A_6 : i32
      %add3A_37 = arith.constant 1 : i32
      %add3A_38 = arith.addi %select_n3A_35, %add3A_37 : i32
      %select_n3A_39 = arith.constant true
      %select_n3A_40 = arith.select %select_n3A_39, %add3A_38, %select_n3A_35 : i32
      %eq3A_41 = arith.constant 2 : i32
      %eq3A_42 = arith.cmpi eq, %select_n3A_40, %eq3A_41 : i32
      %select_n3A_43 = arith.constant 0 : i32
      %select_n3A_44 = arith.select %eq3A_42, %select_n3A_43, %select_n3A_40 : i32
      %add3A_45 = arith.addi %select_n3A_44, %mul3A_6 : i32
      "tpu.trace_start"() <{level = 10 : i32, message = "ep_initialize_0"}> : () -> ()
      %rem3A = arith.constant 0 : i32
      %rem3A_46 = arith.constant 2 : i32
      %rem3A_47 = arith.remui %rem3A, %rem3A_46 : i32
      %mul3A_48 = arith.constant 256 : i32
      %mul3A_49 = arith.muli %mul3A_48, %add3A_20 : i32
      %dma_start3A = arith.constant 0 : i32
      %dma_start3A_50 = arith.constant 0 : i32
      %dma_start3A_51 = tpu.memref_slice %run_scoped3A[%rem3A_47, %dma_start3A, %dma_start3A_50] : memref<2x1x256xi32, #tpu.memory_space<vmem>> -> memref<1x1x256xi32, #tpu.memory_space<vmem>>
      %dma_start3A_52 = tpu.memref_squeeze %dma_start3A_51 : memref<1x1x256xi32, #tpu.memory_space<vmem>> -> memref<1x256xi32, #tpu.memory_space<vmem>>
      %dma_start3A_53 = arith.constant 0 : i32
      %dma_start3A_54 = tpu.memref_slice %arg2[%dma_start3A_53, %mul3A_49] : memref<1x16384xi32, #tpu.memory_space<hbm>> -> memref<1x256xi32, #tpu.memory_space<hbm>>
      %dma_start3A_55 = tpu.memref_slice %run_scoped3A_16[%rem3A_47] : memref<2x!tpu.dma_semaphore, #tpu.memory_space<semaphore_mem>> -> memref<1x!tpu.dma_semaphore, #tpu.memory_space<semaphore_mem>>
      %dma_start3A_56 = tpu.memref_squeeze %dma_start3A_55 : memref<1x!tpu.dma_semaphore, #tpu.memory_space<semaphore_mem>> -> memref<!tpu.dma_semaphore, #tpu.memory_space<semaphore_mem>>
      %dma_start3A_57 = arith.constant 0 : i32
      %dma_start3A_58 = arith.constant 0 : i32
      %dma_start3A_59 = tpu.memref_slice %run_scoped3A[%rem3A_47, %dma_start3A_57, %dma_start3A_58] : memref<2x1x256xi32, #tpu.memory_space<vmem>> -> memref<1x1x256xi32, #tpu.memory_space<vmem>>
      %dma_start3A_60 = tpu.memref_squeeze %dma_start3A_59 : memref<1x1x256xi32, #tpu.memory_space<vmem>> -> memref<1x256xi32, #tpu.memory_space<vmem>>
      %dma_start3A_61 = arith.constant 0 : i32
      %dma_start3A_62 = tpu.memref_slice %arg2[%dma_start3A_61, %mul3A_49] : memref<1x16384xi32, #tpu.memory_space<hbm>> -> memref<1x256xi32, #tpu.memory_space<hbm>>
      tpu.enqueue_dma source(%dma_start3A_62 : memref<1x256xi32, #tpu.memory_space<hbm>>) target(%dma_start3A_60 : memref<1x256xi32, #tpu.memory_space<vmem>>) target_semaphore(%dma_start3A_56 : memref<!tpu.dma_semaphore, #tpu.memory_space<semaphore_mem>>)
      %add3A_63 = arith.constant 0 : i32
      %add3A_64 = arith.constant 1 : i32
      %add3A_65 = arith.addi %add3A_63, %add3A_64 : i32
      %select_n3A_66 = arith.constant true
      %select_n3A_67 = arith.constant 0 : i32
      %select_n3A_68 = arith.select %select_n3A_66, %add3A_65, %select_n3A_67 : i32
      "tpu.trace_stop"() : () -> ()
      %scan3A = arith.constant 0 : i32
      %scan3A_69 = arith.constant 0 : i32
      %scan3A_70 = arith.constant 0 : i32
      %scan3A_71 = arith.constant 0 : i32
      %scan3A_72 = arith.constant 0 : i32
      %scan3A_73 = arith.constant 2 : i32
      %scan3A_74 = arith.addi %scan3A_72, %scan3A_73 : i32
      %scan3A_75 = arith.constant 1 : i32
      %scan3A_76:5 = scf.for %scan3A_130 = %scan3A_72 to %scan3A_74 step %scan3A_75 iter_args(%scan3A_131 = %select_n3A_68, %scan3A_132 = %scan3A, %scan3A_133 = %scan3A_69, %scan3A_134 = %scan3A_70, %scan3A_135 = %scan3A_71) -> (i32, i32, i32, i32, i32)  : i32 {
        %eq3A_136 = arith.constant 0 : i32
        %eq3A_137 = arith.cmpi eq, %scan3A_130, %eq3A_136 : i32
        %eq3A_138 = arith.constant 1 : i32
        %eq3A_139 = arith.cmpi eq, %scan3A_130, %eq3A_138 : i32
        %add3A_140 = arith.addi %scan3A_135, %mul3A_6 : i32
        %sub3A_141 = arith.constant 1 : i32
        %sub3A_142 = arith.subi %scan3A_135, %sub3A_141 : i32
        %select_n3A_143 = arith.constant true
        %select_n3A_144 = arith.select %select_n3A_143, %sub3A_142, %scan3A_135 : i32
        %eq3A_145 = arith.constant -1 : i32
        %eq3A_146 = arith.cmpi eq, %select_n3A_144, %eq3A_145 : i32
        %select_n3A_147 = arith.constant 1 : i32
        %select_n3A_148 = arith.select %eq3A_146, %select_n3A_147, %select_n3A_144 : i32
        %add3A_149 = arith.addi %select_n3A_148, %mul3A_6 : i32
        %add3A_150 = arith.constant 1 : i32
        %add3A_151 = arith.addi %scan3A_135, %add3A_150 : i32
        %select_n3A_152 = arith.constant true
        %select_n3A_153 = arith.select %select_n3A_152, %add3A_151, %scan3A_135 : i32
        %eq3A_154 = arith.constant 2 : i32
        %eq3A_155 = arith.cmpi eq, %select_n3A_153, %eq3A_154 : i32
        %select_n3A_156 = arith.constant 0 : i32
        %select_n3A_157 = arith.select %eq3A_155, %select_n3A_156, %select_n3A_153 : i32
        %add3A_158 = arith.addi %select_n3A_157, %mul3A_6 : i32
        %add3A_159 = arith.constant 1 : i32
        %add3A_160 = arith.addi %select_n3A_157, %add3A_159 : i32
        %select_n3A_161 = arith.constant true
        %select_n3A_162 = arith.select %select_n3A_161, %add3A_160, %select_n3A_157 : i32
        %eq3A_163 = arith.constant 2 : i32
        %eq3A_164 = arith.cmpi eq, %select_n3A_162, %eq3A_163 : i32
        %select_n3A_165 = arith.constant 0 : i32
        %select_n3A_166 = arith.select %eq3A_164, %select_n3A_165, %select_n3A_162 : i32
        %add3A_167 = arith.addi %select_n3A_166, %mul3A_6 : i32
        %ne3A = arith.cmpi ne, %add3A_140, %add3A_158 : i32
        %or3A = arith.constant false
        %or3A_168 = arith.ori %or3A, %ne3A : i1
        %ge3A = arith.constant 1 : i32
        %ge3A_169 = arith.cmpi sge, %scan3A_130, %ge3A : i32
        %not3A = arith.constant true
        %not3A_170 = arith.xori %ge3A_169, %not3A : i1
        %and3A = arith.andi %or3A_168, %not3A_170 : i1
        %convert_element_type3A = arith.extui %and3A : i1 to i32
        %cond3A = arith.constant 0 : i32
        %cond3A_171 = arith.cmpi ne, %convert_element_type3A, %cond3A : i32
        scf.if %cond3A_171 {
          "tpu.trace_start"() <{level = 10 : i32, message = "ep_copy_in"}> : () -> ()
          %rem3A_273 = arith.constant 2 : i32
          %rem3A_274 = arith.remui %scan3A_131, %rem3A_273 : i32
          %mul3A_275 = arith.constant 256 : i32
          %mul3A_276 = arith.muli %mul3A_275, %add3A_158 : i32
          %dma_start3A_277 = arith.constant 0 : i32
          %dma_start3A_278 = arith.constant 0 : i32
          %dma_start3A_279 = tpu.memref_slice %run_scoped3A[%rem3A_274, %dma_start3A_277, %dma_start3A_278] : memref<2x1x256xi32, #tpu.memory_space<vmem>> -> memref<1x1x256xi32, #tpu.memory_space<vmem>>
          %dma_start3A_280 = tpu.memref_squeeze %dma_start3A_279 : memref<1x1x256xi32, #tpu.memory_space<vmem>> -> memref<1x256xi32, #tpu.memory_space<vmem>>
          %dma_start3A_281 = arith.constant 0 : i32
          %dma_start3A_282 = tpu.memref_slice %arg2[%dma_start3A_281, %mul3A_276] : memref<1x16384xi32, #tpu.memory_space<hbm>> -> memref<1x256xi32, #tpu.memory_space<hbm>>
          %dma_start3A_283 = tpu.memref_slice %run_scoped3A_16[%rem3A_274] : memref<2x!tpu.dma_semaphore, #tpu.memory_space<semaphore_mem>> -> memref<1x!tpu.dma_semaphore, #tpu.memory_space<semaphore_mem>>
          %dma_start3A_284 = tpu.memref_squeeze %dma_start3A_283 : memref<1x!tpu.dma_semaphore, #tpu.memory_space<semaphore_mem>> -> memref<!tpu.dma_semaphore, #tpu.memory_space<semaphore_mem>>
          %dma_start3A_285 = arith.constant 0 : i32
          %dma_start3A_286 = arith.constant 0 : i32
          %dma_start3A_287 = tpu.memref_slice %run_scoped3A[%rem3A_274, %dma_start3A_285, %dma_start3A_286] : memref<2x1x256xi32, #tpu.memory_space<vmem>> -> memref<1x1x256xi32, #tpu.memory_space<vmem>>
          %dma_start3A_288 = tpu.memref_squeeze %dma_start3A_287 : memref<1x1x256xi32, #tpu.memory_space<vmem>> -> memref<1x256xi32, #tpu.memory_space<vmem>>
          %dma_start3A_289 = arith.constant 0 : i32
          %dma_start3A_290 = tpu.memref_slice %arg2[%dma_start3A_289, %mul3A_276] : memref<1x16384xi32, #tpu.memory_space<hbm>> -> memref<1x256xi32, #tpu.memory_space<hbm>>
          tpu.enqueue_dma source(%dma_start3A_290 : memref<1x256xi32, #tpu.memory_space<hbm>>) target(%dma_start3A_288 : memref<1x256xi32, #tpu.memory_space<vmem>>) target_semaphore(%dma_start3A_284 : memref<!tpu.dma_semaphore, #tpu.memory_space<semaphore_mem>>)
          "tpu.trace_stop"() : () -> ()
        } else {
        }
        %and3A_172 = arith.constant true
        %and3A_173 = arith.andi %and3A, %and3A_172 : i1
        %add3A_174 = arith.constant 1 : i32
        %add3A_175 = arith.addi %scan3A_131, %add3A_174 : i32
        %select_n3A_176 = arith.select %and3A_173, %add3A_175, %scan3A_131 : i32
        %ne3A_177 = arith.cmpi ne, %add3A_140, %add3A_158 : i32
        %or3A_178 = arith.constant false
        %or3A_179 = arith.ori %or3A_178, %ne3A_177 : i1
        %or3A_180 = arith.constant false
        %or3A_181 = arith.ori %or3A_179, %or3A_180 : i1
        %ge3A_182 = arith.constant 1 : i32
        %ge3A_183 = arith.cmpi sge, %scan3A_130, %ge3A_182 : i32
        %not3A_184 = arith.constant true
        %not3A_185 = arith.xori %ge3A_183, %not3A_184 : i1
        %and3A_186 = arith.andi %or3A_181, %not3A_185 : i1
        %ne3A_187 = arith.cmpi ne, %add3A_140, %add3A_149 : i32
        %or3A_188 = arith.constant false
        %or3A_189 = arith.ori %or3A_188, %ne3A_187 : i1
        %or3A_190 = arith.ori %or3A_189, %eq3A_137 : i1
        %convert_element_type3A_191 = arith.extui %or3A_190 : i1 to i32
        %cond3A_192 = arith.constant 0 : i32
        %cond3A_193 = arith.cmpi ne, %convert_element_type3A_191, %cond3A_192 : i32
        scf.if %cond3A_193 {
          "tpu.trace_start"() <{level = 10 : i32, message = "ep_wait_in"}> : () -> ()
          %mul3A_273 = arith.constant 256 : i32
          %mul3A_274 = arith.muli %mul3A_273, %add3A_140 : i32
          %rem3A_275 = arith.constant 2 : i32
          %rem3A_276 = arith.remui %scan3A_132, %rem3A_275 : i32
          %dma_wait3A_277 = arith.constant 0 : i32
          %dma_wait3A_278 = arith.constant 0 : i32
          %dma_wait3A_279 = tpu.memref_slice %run_scoped3A[%rem3A_276, %dma_wait3A_277, %dma_wait3A_278] : memref<2x1x256xi32, #tpu.memory_space<vmem>> -> memref<1x1x256xi32, #tpu.memory_space<vmem>>
          %dma_wait3A_280 = tpu.memref_squeeze %dma_wait3A_279 : memref<1x1x256xi32, #tpu.memory_space<vmem>> -> memref<1x256xi32, #tpu.memory_space<vmem>>
          %dma_wait3A_281 = arith.constant 0 : i32
          %dma_wait3A_282 = tpu.memref_slice %arg2[%dma_wait3A_281, %mul3A_274] : memref<1x16384xi32, #tpu.memory_space<hbm>> -> memref<1x256xi32, #tpu.memory_space<hbm>>
          %dma_wait3A_283 = tpu.memref_slice %run_scoped3A_16[%rem3A_276] : memref<2x!tpu.dma_semaphore, #tpu.memory_space<semaphore_mem>> -> memref<1x!tpu.dma_semaphore, #tpu.memory_space<semaphore_mem>>
          %dma_wait3A_284 = tpu.memref_squeeze %dma_wait3A_283 : memref<1x!tpu.dma_semaphore, #tpu.memory_space<semaphore_mem>> -> memref<!tpu.dma_semaphore, #tpu.memory_space<semaphore_mem>>
          %dma_wait3A_285 = arith.constant 0 : i32
          %dma_wait3A_286 = arith.constant 0 : i32
          %dma_wait3A_287 = tpu.memref_slice %run_scoped3A[%rem3A_276, %dma_wait3A_285, %dma_wait3A_286] : memref<2x1x256xi32, #tpu.memory_space<vmem>> -> memref<1x1x256xi32, #tpu.memory_space<vmem>>
          %dma_wait3A_288 = tpu.memref_squeeze %dma_wait3A_287 : memref<1x1x256xi32, #tpu.memory_space<vmem>> -> memref<1x256xi32, #tpu.memory_space<vmem>>
          %dma_wait3A_289 = arith.constant 0 : i32
          %dma_wait3A_290 = tpu.memref_slice %arg2[%dma_wait3A_289, %mul3A_274] : memref<1x16384xi32, #tpu.memory_space<hbm>> -> memref<1x256xi32, #tpu.memory_space<hbm>>
          tpu.wait_dma2 semaphore(%dma_wait3A_284 : memref<!tpu.dma_semaphore, #tpu.memory_space<semaphore_mem>>) src(%dma_wait3A_290 : memref<1x256xi32, #tpu.memory_space<hbm>>) dst(%dma_wait3A_288 : memref<1x256xi32, #tpu.memory_space<vmem>>)
          "tpu.trace_stop"() : () -> ()
        } else {
        }
        %ne3A_194 = arith.cmpi ne, %add3A_140, %add3A_149 : i32
        %or3A_195 = arith.constant false
        %or3A_196 = arith.ori %or3A_195, %ne3A_194 : i1
        %or3A_197 = arith.constant false
        %or3A_198 = arith.ori %or3A_196, %or3A_197 : i1
        %or3A_199 = arith.ori %or3A_198, %eq3A_137 : i1
        %convert_element_type3A_200 = arith.extui %or3A_199 : i1 to i32
        %cond3A_201 = arith.constant 0 : i32
        %cond3A_202 = arith.cmpi ne, %convert_element_type3A_200, %cond3A_201 : i32
        scf.if %cond3A_202 {
        } else {
        }
        %rem3A_203 = arith.constant 2 : i32
        %rem3A_204 = arith.remui %scan3A_132, %rem3A_203 : i32
        %rem3A_205 = arith.constant 2 : i32
        %rem3A_206 = arith.remui %scan3A_133, %rem3A_205 : i32
        %run_scoped3A_207 = arith.constant 0 : i32
        "tpu.trace_start"() <{level = 10 : i32, message = "ep_run_kernel"}> : () -> ()
        "tpu.region"() ({
          %run_scoped3A_273 = tpu.sem_alloc : memref<!tpu.dma_semaphore, #tpu.memory_space<semaphore_mem>>
          %dma_start3A_274 = arith.constant 0 : i32
          %dma_start3A_275 = arith.constant 0 : i32
          %dma_start3A_276 = tpu.memref_slice %run_scoped3A_17[%rem3A_206, %dma_start3A_274, %dma_start3A_275] : memref<2x256x128xf32, #tpu.memory_space<vmem>> -> memref<1x256x128xf32, #tpu.memory_space<vmem>>
          %dma_start3A_277 = tpu.memref_squeeze %dma_start3A_276 : memref<1x256x128xf32, #tpu.memory_space<vmem>> -> memref<256x128xf32, #tpu.memory_space<vmem>>
          %dma_start3A_278 = arith.constant 0 : i32
          %dma_start3A_279 = arith.constant 0 : i32
          %dma_start3A_280 = tpu.memref_slice %run_scoped3A[%rem3A_204, %dma_start3A_278, %dma_start3A_279] : memref<2x1x256xi32, #tpu.memory_space<vmem>> -> memref<1x1x256xi32, #tpu.memory_space<vmem>>
          %dma_start3A_281 = tpu.memref_squeeze %dma_start3A_280 : memref<1x1x256xi32, #tpu.memory_space<vmem>> -> memref<1x256xi32, #tpu.memory_space<vmem>>
          %dma_start3A_282 = arith.constant 0 : i32
          %dma_start3A_283 = tpu.memref_slice %dma_start3A_281[%run_scoped3A_207, %dma_start3A_282] : memref<1x256xi32, #tpu.memory_space<vmem>> -> memref<1x256xi32, #tpu.memory_space<vmem>>
          %dma_start3A_284 = tpu.memref_squeeze %dma_start3A_283 : memref<1x256xi32, #tpu.memory_space<vmem>> -> memref<256xi32, #tpu.memory_space<vmem>>
          %dma_start3A_285 = arith.constant 0 : i32
          %dma_start3A_286 = arith.constant 0 : i32
          %dma_start3A_287 = tpu.memref_slice %arg4[%dma_start3A_285, %dma_start3A_286] : memref<100000x128xf32, #tpu.memory_space<hbm>> -> memref<100000x128xf32, #tpu.memory_space<hbm>>
          tpu.enqueue_indirect_dma source(%dma_start3A_287 : memref<100000x128xf32, #tpu.memory_space<hbm>>) target(%dma_start3A_277 : memref<256x128xf32, #tpu.memory_space<vmem>>) offsets(%dma_start3A_284 : memref<256xi32, #tpu.memory_space<vmem>>) semaphore(%run_scoped3A_273 : memref<!tpu.dma_semaphore, #tpu.memory_space<semaphore_mem>>)
          %dma_wait3A_288 = arith.constant 0 : i32
          %dma_wait3A_289 = arith.constant 0 : i32
          %dma_wait3A_290 = tpu.memref_slice %run_scoped3A_17[%rem3A_206, %dma_wait3A_288, %dma_wait3A_289] : memref<2x256x128xf32, #tpu.memory_space<vmem>> -> memref<1x256x128xf32, #tpu.memory_space<vmem>>
          %dma_wait3A_291 = tpu.memref_squeeze %dma_wait3A_290 : memref<1x256x128xf32, #tpu.memory_space<vmem>> -> memref<256x128xf32, #tpu.memory_space<vmem>>
          %dma_wait3A_292 = arith.constant 0 : i32
          %dma_wait3A_293 = arith.constant 0 : i32
          %dma_wait3A_294 = tpu.memref_slice %run_scoped3A[%rem3A_204, %dma_wait3A_292, %dma_wait3A_293] : memref<2x1x256xi32, #tpu.memory_space<vmem>> -> memref<1x1x256xi32, #tpu.memory_space<vmem>>
          %dma_wait3A_295 = tpu.memref_squeeze %dma_wait3A_294 : memref<1x1x256xi32, #tpu.memory_space<vmem>> -> memref<1x256xi32, #tpu.memory_space<vmem>>
          %dma_wait3A_296 = arith.constant 0 : i32
          %dma_wait3A_297 = tpu.memref_slice %dma_wait3A_295[%run_scoped3A_207, %dma_wait3A_296] : memref<1x256xi32, #tpu.memory_space<vmem>> -> memref<1x256xi32, #tpu.memory_space<vmem>>
          %dma_wait3A_298 = tpu.memref_squeeze %dma_wait3A_297 : memref<1x256xi32, #tpu.memory_space<vmem>> -> memref<256xi32, #tpu.memory_space<vmem>>
          %dma_wait3A_299 = arith.constant 0 : i32
          %dma_wait3A_300 = arith.constant 0 : i32
          %dma_wait3A_301 = tpu.memref_slice %arg4[%dma_wait3A_299, %dma_wait3A_300] : memref<100000x128xf32, #tpu.memory_space<hbm>> -> memref<100000x128xf32, #tpu.memory_space<hbm>>
          tpu.wait_indirect_dma semaphore(%run_scoped3A_273 : memref<!tpu.dma_semaphore, #tpu.memory_space<semaphore_mem>>) src(%dma_wait3A_301 : memref<100000x128xf32, #tpu.memory_space<hbm>>) dst(%dma_wait3A_291 : memref<256x128xf32, #tpu.memory_space<vmem>>)
          tpu.yield
        }) : () -> ()
        "tpu.trace_stop"() : () -> ()
        %ne3A_208 = arith.cmpi ne, %add3A_140, %add3A_158 : i32
        %or3A_209 = arith.constant false
        %or3A_210 = arith.ori %or3A_209, %ne3A_208 : i1
        %or3A_211 = arith.ori %or3A_210, %eq3A_139 : i1
        %convert_element_type3A_212 = arith.extui %or3A_211 : i1 to i32
        %cond3A_213 = arith.constant 0 : i32
        %cond3A_214 = arith.cmpi ne, %convert_element_type3A_212, %cond3A_213 : i32
        scf.if %cond3A_214 {
        } else {
        }
        %and3A_215 = arith.constant false
        %and3A_216 = arith.andi %or3A_211, %and3A_215 : i1
        %ne3A_217 = arith.cmpi ne, %add3A_140, %add3A_158 : i32
        %or3A_218 = arith.constant false
        %or3A_219 = arith.ori %or3A_218, %ne3A_217 : i1
        %or3A_220 = arith.constant false
        %or3A_221 = arith.ori %or3A_219, %or3A_220 : i1
        %or3A_222 = arith.ori %or3A_221, %eq3A_139 : i1
        %convert_element_type3A_223 = arith.extui %or3A_222 : i1 to i32
        %cond3A_224 = arith.constant 0 : i32
        %cond3A_225 = arith.cmpi ne, %convert_element_type3A_223, %cond3A_224 : i32
        scf.if %cond3A_225 {
          "tpu.trace_start"() <{level = 10 : i32, message = "ep_copy_out"}> : () -> ()
          %rem3A_273 = arith.constant 2 : i32
          %rem3A_274 = arith.remui %scan3A_133, %rem3A_273 : i32
          %mul3A_275 = arith.constant 256 : i32
          %mul3A_276 = arith.muli %mul3A_275, %add3A_140 : i32
          %dma_start3A_277 = arith.constant 0 : i32
          %dma_start3A_278 = arith.constant 0 : i32
          %dma_start3A_279 = tpu.memref_slice %run_scoped3A_17[%rem3A_274, %dma_start3A_277, %dma_start3A_278] : memref<2x256x128xf32, #tpu.memory_space<vmem>> -> memref<1x256x128xf32, #tpu.memory_space<vmem>>
          %dma_start3A_280 = tpu.memref_squeeze %dma_start3A_279 : memref<1x256x128xf32, #tpu.memory_space<vmem>> -> memref<256x128xf32, #tpu.memory_space<vmem>>
          %dma_start3A_281 = arith.constant 0 : i32
          %dma_start3A_282 = tpu.memref_slice %arg6[%mul3A_276, %dma_start3A_281] : memref<16384x128xf32, #tpu.memory_space<hbm>> -> memref<256x128xf32, #tpu.memory_space<hbm>>
          %dma_start3A_283 = tpu.memref_slice %run_scoped3A_18[%rem3A_274] : memref<2x!tpu.dma_semaphore, #tpu.memory_space<semaphore_mem>> -> memref<1x!tpu.dma_semaphore, #tpu.memory_space<semaphore_mem>>
          %dma_start3A_284 = tpu.memref_squeeze %dma_start3A_283 : memref<1x!tpu.dma_semaphore, #tpu.memory_space<semaphore_mem>> -> memref<!tpu.dma_semaphore, #tpu.memory_space<semaphore_mem>>
          %dma_start3A_285 = arith.constant 0 : i32
          %dma_start3A_286 = tpu.memref_slice %arg6[%mul3A_276, %dma_start3A_285] : memref<16384x128xf32, #tpu.memory_space<hbm>> -> memref<256x128xf32, #tpu.memory_space<hbm>>
          %dma_start3A_287 = arith.constant 0 : i32
          %dma_start3A_288 = arith.constant 0 : i32
          %dma_start3A_289 = tpu.memref_slice %run_scoped3A_17[%rem3A_274, %dma_start3A_287, %dma_start3A_288] : memref<2x256x128xf32, #tpu.memory_space<vmem>> -> memref<1x256x128xf32, #tpu.memory_space<vmem>>
          %dma_start3A_290 = tpu.memref_squeeze %dma_start3A_289 : memref<1x256x128xf32, #tpu.memory_space<vmem>> -> memref<256x128xf32, #tpu.memory_space<vmem>>
          tpu.enqueue_dma source(%dma_start3A_290 : memref<256x128xf32, #tpu.memory_space<vmem>>) target(%dma_start3A_286 : memref<256x128xf32, #tpu.memory_space<hbm>>) target_semaphore(%dma_start3A_284 : memref<!tpu.dma_semaphore, #tpu.memory_space<semaphore_mem>>)
          "tpu.trace_stop"() : () -> ()
        } else {
        }
        %and3A_226 = arith.constant true
        %and3A_227 = arith.andi %or3A_222, %and3A_226 : i1
        %add3A_228 = arith.constant 1 : i32
        %add3A_229 = arith.addi %scan3A_133, %add3A_228 : i32
        %select_n3A_230 = arith.select %and3A_227, %add3A_229, %scan3A_133 : i32
        %ne3A_231 = arith.cmpi ne, %add3A_140, %add3A_149 : i32
        %or3A_232 = arith.constant false
        %or3A_233 = arith.ori %or3A_232, %ne3A_231 : i1
        %not3A_234 = arith.constant true
        %not3A_235 = arith.xori %eq3A_137, %not3A_234 : i1
        %and3A_236 = arith.andi %or3A_233, %not3A_235 : i1
        %convert_element_type3A_237 = arith.extui %and3A_236 : i1 to i32
        %cond3A_238 = arith.constant 0 : i32
        %cond3A_239 = arith.cmpi ne, %convert_element_type3A_237, %cond3A_238 : i32
        scf.if %cond3A_239 {
        } else {
        }
        %and3A_240 = arith.constant false
        %and3A_241 = arith.andi %and3A_236, %and3A_240 : i1
        %ne3A_242 = arith.cmpi ne, %add3A_140, %add3A_149 : i32
        %or3A_243 = arith.constant false
        %or3A_244 = arith.ori %or3A_243, %ne3A_242 : i1
        %or3A_245 = arith.constant false
        %or3A_246 = arith.ori %or3A_244, %or3A_245 : i1
        %not3A_247 = arith.constant true
        %not3A_248 = arith.xori %eq3A_137, %not3A_247 : i1
        %and3A_249 = arith.andi %or3A_246, %not3A_248 : i1
        %convert_element_type3A_250 = arith.extui %and3A_249 : i1 to i32
        %cond3A_251 = arith.constant 0 : i32
        %cond3A_252 = arith.cmpi ne, %convert_element_type3A_250, %cond3A_251 : i32
        scf.if %cond3A_252 {
          "tpu.trace_start"() <{level = 10 : i32, message = "ep_wait_out"}> : () -> ()
          %rem3A_273 = arith.constant 2 : i32
          %rem3A_274 = arith.remui %scan3A_134, %rem3A_273 : i32
          %mul3A_275 = arith.constant 256 : i32
          %mul3A_276 = arith.muli %mul3A_275, %add3A_149 : i32
          %dma_wait3A_277 = arith.constant 0 : i32
          %dma_wait3A_278 = arith.constant 0 : i32
          %dma_wait3A_279 = tpu.memref_slice %run_scoped3A_17[%rem3A_274, %dma_wait3A_277, %dma_wait3A_278] : memref<2x256x128xf32, #tpu.memory_space<vmem>> -> memref<1x256x128xf32, #tpu.memory_space<vmem>>
          %dma_wait3A_280 = tpu.memref_squeeze %dma_wait3A_279 : memref<1x256x128xf32, #tpu.memory_space<vmem>> -> memref<256x128xf32, #tpu.memory_space<vmem>>
          %dma_wait3A_281 = arith.constant 0 : i32
          %dma_wait3A_282 = tpu.memref_slice %arg6[%mul3A_276, %dma_wait3A_281] : memref<16384x128xf32, #tpu.memory_space<hbm>> -> memref<256x128xf32, #tpu.memory_space<hbm>>
          %dma_wait3A_283 = tpu.memref_slice %run_scoped3A_18[%rem3A_274] : memref<2x!tpu.dma_semaphore, #tpu.memory_space<semaphore_mem>> -> memref<1x!tpu.dma_semaphore, #tpu.memory_space<semaphore_mem>>
          %dma_wait3A_284 = tpu.memref_squeeze %dma_wait3A_283 : memref<1x!tpu.dma_semaphore, #tpu.memory_space<semaphore_mem>> -> memref<!tpu.dma_semaphore, #tpu.memory_space<semaphore_mem>>
          %dma_wait3A_285 = arith.constant 0 : i32
          %dma_wait3A_286 = tpu.memref_slice %arg6[%mul3A_276, %dma_wait3A_285] : memref<16384x128xf32, #tpu.memory_space<hbm>> -> memref<256x128xf32, #tpu.memory_space<hbm>>
          %dma_wait3A_287 = arith.constant 0 : i32
          %dma_wait3A_288 = arith.constant 0 : i32
          %dma_wait3A_289 = tpu.memref_slice %run_scoped3A_17[%rem3A_274, %dma_wait3A_287, %dma_wait3A_288] : memref<2x256x128xf32, #tpu.memory_space<vmem>> -> memref<1x256x128xf32, #tpu.memory_space<vmem>>
          %dma_wait3A_290 = tpu.memref_squeeze %dma_wait3A_289 : memref<1x256x128xf32, #tpu.memory_space<vmem>> -> memref<256x128xf32, #tpu.memory_space<vmem>>
          tpu.wait_dma2 semaphore(%dma_wait3A_284 : memref<!tpu.dma_semaphore, #tpu.memory_space<semaphore_mem>>) src(%dma_wait3A_290 : memref<256x128xf32, #tpu.memory_space<vmem>>) dst(%dma_wait3A_286 : memref<256x128xf32, #tpu.memory_space<hbm>>)
          "tpu.trace_stop"() : () -> ()
        } else {
        }
        %and3A_253 = arith.constant true
        %and3A_254 = arith.andi %and3A_249, %and3A_253 : i1
        %add3A_255 = arith.constant 1 : i32
        %add3A_256 = arith.addi %scan3A_134, %add3A_255 : i32
        %select_n3A_257 = arith.select %and3A_254, %add3A_256, %scan3A_134 : i32
        %ne3A_258 = arith.cmpi ne, %add3A_140, %add3A_158 : i32
        %or3A_259 = arith.constant false
        %or3A_260 = arith.ori %or3A_259, %ne3A_258 : i1
        %or3A_261 = arith.ori %or3A_260, %eq3A_139 : i1
        %add3A_262 = arith.constant 1 : i32
        %add3A_263 = arith.addi %scan3A_132, %add3A_262 : i32
        %select_n3A_264 = arith.select %or3A_261, %add3A_263, %scan3A_132 : i32
        %add3A_265 = arith.constant 1 : i32
        %add3A_266 = arith.addi %scan3A_135, %add3A_265 : i32
        %select_n3A_267 = arith.constant true
        %select_n3A_268 = arith.select %select_n3A_267, %add3A_266, %scan3A_135 : i32
        %eq3A_269 = arith.constant 2 : i32
        %eq3A_270 = arith.cmpi eq, %select_n3A_268, %eq3A_269 : i32
        %select_n3A_271 = arith.constant 0 : i32
        %select_n3A_272 = arith.select %eq3A_270, %select_n3A_271, %select_n3A_268 : i32
        scf.yield %select_n3A_176, %select_n3A_264, %select_n3A_230, %select_n3A_257, %select_n3A_272 : i32, i32, i32, i32, i32
      }
      %scan3A_77 = arith.constant 2 : i32
      %sub3A = arith.constant 1 : i32
      %sub3A_78 = arith.subi %scan3A_76#4, %sub3A : i32
      %select_n3A_79 = arith.constant true
      %select_n3A_80 = arith.select %select_n3A_79, %sub3A_78, %scan3A_76#4 : i32
      %eq3A_81 = arith.constant -1 : i32
      %eq3A_82 = arith.cmpi eq, %select_n3A_80, %eq3A_81 : i32
      %select_n3A_83 = arith.constant 1 : i32
      %select_n3A_84 = arith.select %eq3A_82, %select_n3A_83, %select_n3A_80 : i32
      %add3A_85 = arith.addi %select_n3A_84, %mul3A_6 : i32
      %sub3A_86 = arith.constant 1 : i32
      %sub3A_87 = arith.subi %select_n3A_84, %sub3A_86 : i32
      %select_n3A_88 = arith.constant true
      %select_n3A_89 = arith.select %select_n3A_88, %sub3A_87, %select_n3A_84 : i32
      %eq3A_90 = arith.constant -1 : i32
      %eq3A_91 = arith.cmpi eq, %select_n3A_89, %eq3A_90 : i32
      %select_n3A_92 = arith.constant 1 : i32
      %select_n3A_93 = arith.select %eq3A_91, %select_n3A_92, %select_n3A_89 : i32
      %add3A_94 = arith.addi %select_n3A_93, %mul3A_6 : i32
      %add3A_95 = arith.constant 1 : i32
      %add3A_96 = arith.addi %select_n3A_84, %add3A_95 : i32
      %select_n3A_97 = arith.constant true
      %select_n3A_98 = arith.select %select_n3A_97, %add3A_96, %select_n3A_84 : i32
      %eq3A_99 = arith.constant 2 : i32
      %eq3A_100 = arith.cmpi eq, %select_n3A_98, %eq3A_99 : i32
      %select_n3A_101 = arith.constant 0 : i32
      %select_n3A_102 = arith.select %eq3A_100, %select_n3A_101, %select_n3A_98 : i32
      %add3A_103 = arith.addi %select_n3A_102, %mul3A_6 : i32
      %add3A_104 = arith.constant 1 : i32
      %add3A_105 = arith.addi %select_n3A_102, %add3A_104 : i32
      %select_n3A_106 = arith.constant true
      %select_n3A_107 = arith.select %select_n3A_106, %add3A_105, %select_n3A_102 : i32
      %eq3A_108 = arith.constant 2 : i32
      %eq3A_109 = arith.cmpi eq, %select_n3A_107, %eq3A_108 : i32
      %select_n3A_110 = arith.constant 0 : i32
      %select_n3A_111 = arith.select %eq3A_109, %select_n3A_110, %select_n3A_107 : i32
      %add3A_112 = arith.addi %select_n3A_111, %mul3A_6 : i32
      "tpu.trace_start"() <{level = 10 : i32, message = "ep_finalize"}> : () -> ()
      %rem3A_113 = arith.constant 2 : i32
      %rem3A_114 = arith.remui %scan3A_76#3, %rem3A_113 : i32
      %mul3A_115 = arith.constant 256 : i32
      %mul3A_116 = arith.muli %mul3A_115, %add3A_85 : i32
      %dma_wait3A = arith.constant 0 : i32
      %dma_wait3A_117 = arith.constant 0 : i32
      %dma_wait3A_118 = tpu.memref_slice %run_scoped3A_17[%rem3A_114, %dma_wait3A, %dma_wait3A_117] : memref<2x256x128xf32, #tpu.memory_space<vmem>> -> memref<1x256x128xf32, #tpu.memory_space<vmem>>
      %dma_wait3A_119 = tpu.memref_squeeze %dma_wait3A_118 : memref<1x256x128xf32, #tpu.memory_space<vmem>> -> memref<256x128xf32, #tpu.memory_space<vmem>>
      %dma_wait3A_120 = arith.constant 0 : i32
      %dma_wait3A_121 = tpu.memref_slice %arg6[%mul3A_116, %dma_wait3A_120] : memref<16384x128xf32, #tpu.memory_space<hbm>> -> memref<256x128xf32, #tpu.memory_space<hbm>>
      %dma_wait3A_122 = tpu.memref_slice %run_scoped3A_18[%rem3A_114] : memref<2x!tpu.dma_semaphore, #tpu.memory_space<semaphore_mem>> -> memref<1x!tpu.dma_semaphore, #tpu.memory_space<semaphore_mem>>
      %dma_wait3A_123 = tpu.memref_squeeze %dma_wait3A_122 : memref<1x!tpu.dma_semaphore, #tpu.memory_space<semaphore_mem>> -> memref<!tpu.dma_semaphore, #tpu.memory_space<semaphore_mem>>
      %dma_wait3A_124 = arith.constant 0 : i32
      %dma_wait3A_125 = tpu.memref_slice %arg6[%mul3A_116, %dma_wait3A_124] : memref<16384x128xf32, #tpu.memory_space<hbm>> -> memref<256x128xf32, #tpu.memory_space<hbm>>
      %dma_wait3A_126 = arith.constant 0 : i32
      %dma_wait3A_127 = arith.constant 0 : i32
      %dma_wait3A_128 = tpu.memref_slice %run_scoped3A_17[%rem3A_114, %dma_wait3A_126, %dma_wait3A_127] : memref<2x256x128xf32, #tpu.memory_space<vmem>> -> memref<1x256x128xf32, #tpu.memory_space<vmem>>
      %dma_wait3A_129 = tpu.memref_squeeze %dma_wait3A_128 : memref<1x256x128xf32, #tpu.memory_space<vmem>> -> memref<256x128xf32, #tpu.memory_space<vmem>>
      tpu.wait_dma2 semaphore(%dma_wait3A_123 : memref<!tpu.dma_semaphore, #tpu.memory_space<semaphore_mem>>) src(%dma_wait3A_129 : memref<256x128xf32, #tpu.memory_space<vmem>>) dst(%dma_wait3A_125 : memref<256x128xf32, #tpu.memory_space<hbm>>)
      "tpu.trace_stop"() : () -> ()
      tpu.yield
    }) : () -> ()
    %mul3A_7 = arith.constant 1 : i32
    %mul3A_8 = arith.muli %arg1, %mul3A_7 : i32
    %add3A_9 = arith.constant 0 : i32
    %add3A_10 = arith.addi %add3A_9, %mul3A_8 : i32
    %mul3A_11 = arith.constant 16 : i32
    %mul3A_12 = arith.muli %arg0, %mul3A_11 : i32
    %add3A_13 = arith.addi %add3A_10, %mul3A_12 : i32
    %mul3A_14 = arith.constant 2 : i32
    %mul3A_15 = arith.muli %add3A_13, %mul3A_14 : i32
    "tpu.region"() ({
      %run_scoped3A = memref.alloca() : memref<2x1x256xi32, #tpu.memory_space<vmem>>
      %run_scoped3A_16 = tpu.sem_alloc : memref<2x!tpu.dma_semaphore, #tpu.memory_space<semaphore_mem>>
      %run_scoped3A_17 = memref.alloca() : memref<2x256x128xf32, #tpu.memory_space<vmem>>
      %run_scoped3A_18 = tpu.sem_alloc : memref<2x!tpu.dma_semaphore, #tpu.memory_space<semaphore_mem>>
      %add3A_19 = arith.constant 0 : i32
      %add3A_20 = arith.addi %add3A_19, %mul3A_15 : i32
      %select_n3A = arith.constant true
      %select_n3A_21 = arith.constant 0 : i32
      %select_n3A_22 = arith.constant -1 : i32
      %select_n3A_23 = arith.select %select_n3A, %select_n3A_22, %select_n3A_21 : i32
      %eq3A = arith.constant -1 : i32
      %eq3A_24 = arith.cmpi eq, %select_n3A_23, %eq3A : i32
      %select_n3A_25 = arith.constant 1 : i32
      %select_n3A_26 = arith.select %eq3A_24, %select_n3A_25, %select_n3A_23 : i32
      %add3A_27 = arith.addi %select_n3A_26, %mul3A_15 : i32
      %select_n3A_28 = arith.constant true
      %select_n3A_29 = arith.constant 0 : i32
      %select_n3A_30 = arith.constant 1 : i32
      %select_n3A_31 = arith.select %select_n3A_28, %select_n3A_30, %select_n3A_29 : i32
      %eq3A_32 = arith.constant 2 : i32
      %eq3A_33 = arith.cmpi eq, %select_n3A_31, %eq3A_32 : i32
      %select_n3A_34 = arith.constant 0 : i32
      %select_n3A_35 = arith.select %eq3A_33, %select_n3A_34, %select_n3A_31 : i32
      %add3A_36 = arith.addi %select_n3A_35, %mul3A_15 : i32
      %add3A_37 = arith.constant 1 : i32
      %add3A_38 = arith.addi %select_n3A_35, %add3A_37 : i32
      %select_n3A_39 = arith.constant true
      %select_n3A_40 = arith.select %select_n3A_39, %add3A_38, %select_n3A_35 : i32
      %eq3A_41 = arith.constant 2 : i32
      %eq3A_42 = arith.cmpi eq, %select_n3A_40, %eq3A_41 : i32
      %select_n3A_43 = arith.constant 0 : i32
      %select_n3A_44 = arith.select %eq3A_42, %select_n3A_43, %select_n3A_40 : i32
      %add3A_45 = arith.addi %select_n3A_44, %mul3A_15 : i32
      "tpu.trace_start"() <{level = 10 : i32, message = "ep_initialize_0"}> : () -> ()
      %rem3A = arith.constant 0 : i32
      %rem3A_46 = arith.constant 2 : i32
      %rem3A_47 = arith.remui %rem3A, %rem3A_46 : i32
      %mul3A_48 = arith.constant 256 : i32
      %mul3A_49 = arith.muli %mul3A_48, %add3A_20 : i32
      %dma_start3A = arith.constant 0 : i32
      %dma_start3A_50 = arith.constant 0 : i32
      %dma_start3A_51 = tpu.memref_slice %run_scoped3A[%rem3A_47, %dma_start3A, %dma_start3A_50] : memref<2x1x256xi32, #tpu.memory_space<vmem>> -> memref<1x1x256xi32, #tpu.memory_space<vmem>>
      %dma_start3A_52 = tpu.memref_squeeze %dma_start3A_51 : memref<1x1x256xi32, #tpu.memory_space<vmem>> -> memref<1x256xi32, #tpu.memory_space<vmem>>
      %dma_start3A_53 = arith.constant 0 : i32
      %dma_start3A_54 = tpu.memref_slice %arg3[%dma_start3A_53, %mul3A_49] : memref<1x16384xi32, #tpu.memory_space<hbm>> -> memref<1x256xi32, #tpu.memory_space<hbm>>
      %dma_start3A_55 = tpu.memref_slice %run_scoped3A_16[%rem3A_47] : memref<2x!tpu.dma_semaphore, #tpu.memory_space<semaphore_mem>> -> memref<1x!tpu.dma_semaphore, #tpu.memory_space<semaphore_mem>>
      %dma_start3A_56 = tpu.memref_squeeze %dma_start3A_55 : memref<1x!tpu.dma_semaphore, #tpu.memory_space<semaphore_mem>> -> memref<!tpu.dma_semaphore, #tpu.memory_space<semaphore_mem>>
      %dma_start3A_57 = arith.constant 0 : i32
      %dma_start3A_58 = arith.constant 0 : i32
      %dma_start3A_59 = tpu.memref_slice %run_scoped3A[%rem3A_47, %dma_start3A_57, %dma_start3A_58] : memref<2x1x256xi32, #tpu.memory_space<vmem>> -> memref<1x1x256xi32, #tpu.memory_space<vmem>>
      %dma_start3A_60 = tpu.memref_squeeze %dma_start3A_59 : memref<1x1x256xi32, #tpu.memory_space<vmem>> -> memref<1x256xi32, #tpu.memory_space<vmem>>
      %dma_start3A_61 = arith.constant 0 : i32
      %dma_start3A_62 = tpu.memref_slice %arg3[%dma_start3A_61, %mul3A_49] : memref<1x16384xi32, #tpu.memory_space<hbm>> -> memref<1x256xi32, #tpu.memory_space<hbm>>
      tpu.enqueue_dma source(%dma_start3A_62 : memref<1x256xi32, #tpu.memory_space<hbm>>) target(%dma_start3A_60 : memref<1x256xi32, #tpu.memory_space<vmem>>) target_semaphore(%dma_start3A_56 : memref<!tpu.dma_semaphore, #tpu.memory_space<semaphore_mem>>)
      %add3A_63 = arith.constant 0 : i32
      %add3A_64 = arith.constant 1 : i32
      %add3A_65 = arith.addi %add3A_63, %add3A_64 : i32
      %select_n3A_66 = arith.constant true
      %select_n3A_67 = arith.constant 0 : i32
      %select_n3A_68 = arith.select %select_n3A_66, %add3A_65, %select_n3A_67 : i32
      "tpu.trace_stop"() : () -> ()
      %scan3A = arith.constant 0 : i32
      %scan3A_69 = arith.constant 0 : i32
      %scan3A_70 = arith.constant 0 : i32
      %scan3A_71 = arith.constant 0 : i32
      %scan3A_72 = arith.constant 0 : i32
      %scan3A_73 = arith.constant 2 : i32
      %scan3A_74 = arith.addi %scan3A_72, %scan3A_73 : i32
      %scan3A_75 = arith.constant 1 : i32
      %scan3A_76:5 = scf.for %scan3A_130 = %scan3A_72 to %scan3A_74 step %scan3A_75 iter_args(%scan3A_131 = %select_n3A_68, %scan3A_132 = %scan3A, %scan3A_133 = %scan3A_69, %scan3A_134 = %scan3A_70, %scan3A_135 = %scan3A_71) -> (i32, i32, i32, i32, i32)  : i32 {
        %eq3A_136 = arith.constant 0 : i32
        %eq3A_137 = arith.cmpi eq, %scan3A_130, %eq3A_136 : i32
        %eq3A_138 = arith.constant 1 : i32
        %eq3A_139 = arith.cmpi eq, %scan3A_130, %eq3A_138 : i32
        %add3A_140 = arith.addi %scan3A_135, %mul3A_15 : i32
        %sub3A_141 = arith.constant 1 : i32
        %sub3A_142 = arith.subi %scan3A_135, %sub3A_141 : i32
        %select_n3A_143 = arith.constant true
        %select_n3A_144 = arith.select %select_n3A_143, %sub3A_142, %scan3A_135 : i32
        %eq3A_145 = arith.constant -1 : i32
        %eq3A_146 = arith.cmpi eq, %select_n3A_144, %eq3A_145 : i32
        %select_n3A_147 = arith.constant 1 : i32
        %select_n3A_148 = arith.select %eq3A_146, %select_n3A_147, %select_n3A_144 : i32
        %add3A_149 = arith.addi %select_n3A_148, %mul3A_15 : i32
        %add3A_150 = arith.constant 1 : i32
        %add3A_151 = arith.addi %scan3A_135, %add3A_150 : i32
        %select_n3A_152 = arith.constant true
        %select_n3A_153 = arith.select %select_n3A_152, %add3A_151, %scan3A_135 : i32
        %eq3A_154 = arith.constant 2 : i32
        %eq3A_155 = arith.cmpi eq, %select_n3A_153, %eq3A_154 : i32
        %select_n3A_156 = arith.constant 0 : i32
        %select_n3A_157 = arith.select %eq3A_155, %select_n3A_156, %select_n3A_153 : i32
        %add3A_158 = arith.addi %select_n3A_157, %mul3A_15 : i32
        %add3A_159 = arith.constant 1 : i32
        %add3A_160 = arith.addi %select_n3A_157, %add3A_159 : i32
        %select_n3A_161 = arith.constant true
        %select_n3A_162 = arith.select %select_n3A_161, %add3A_160, %select_n3A_157 : i32
        %eq3A_163 = arith.constant 2 : i32
        %eq3A_164 = arith.cmpi eq, %select_n3A_162, %eq3A_163 : i32
        %select_n3A_165 = arith.constant 0 : i32
        %select_n3A_166 = arith.select %eq3A_164, %select_n3A_165, %select_n3A_162 : i32
        %add3A_167 = arith.addi %select_n3A_166, %mul3A_15 : i32
        %ne3A = arith.cmpi ne, %add3A_140, %add3A_158 : i32
        %or3A = arith.constant false
        %or3A_168 = arith.ori %or3A, %ne3A : i1
        %ge3A = arith.constant 1 : i32
        %ge3A_169 = arith.cmpi sge, %scan3A_130, %ge3A : i32
        %not3A = arith.constant true
        %not3A_170 = arith.xori %ge3A_169, %not3A : i1
        %and3A = arith.andi %or3A_168, %not3A_170 : i1
        %convert_element_type3A = arith.extui %and3A : i1 to i32
        %cond3A = arith.constant 0 : i32
        %cond3A_171 = arith.cmpi ne, %convert_element_type3A, %cond3A : i32
        scf.if %cond3A_171 {
          "tpu.trace_start"() <{level = 10 : i32, message = "ep_copy_in"}> : () -> ()
          %rem3A_273 = arith.constant 2 : i32
          %rem3A_274 = arith.remui %scan3A_131, %rem3A_273 : i32
          %mul3A_275 = arith.constant 256 : i32
          %mul3A_276 = arith.muli %mul3A_275, %add3A_158 : i32
          %dma_start3A_277 = arith.constant 0 : i32
          %dma_start3A_278 = arith.constant 0 : i32
          %dma_start3A_279 = tpu.memref_slice %run_scoped3A[%rem3A_274, %dma_start3A_277, %dma_start3A_278] : memref<2x1x256xi32, #tpu.memory_space<vmem>> -> memref<1x1x256xi32, #tpu.memory_space<vmem>>
          %dma_start3A_280 = tpu.memref_squeeze %dma_start3A_279 : memref<1x1x256xi32, #tpu.memory_space<vmem>> -> memref<1x256xi32, #tpu.memory_space<vmem>>
          %dma_start3A_281 = arith.constant 0 : i32
          %dma_start3A_282 = tpu.memref_slice %arg3[%dma_start3A_281, %mul3A_276] : memref<1x16384xi32, #tpu.memory_space<hbm>> -> memref<1x256xi32, #tpu.memory_space<hbm>>
          %dma_start3A_283 = tpu.memref_slice %run_scoped3A_16[%rem3A_274] : memref<2x!tpu.dma_semaphore, #tpu.memory_space<semaphore_mem>> -> memref<1x!tpu.dma_semaphore, #tpu.memory_space<semaphore_mem>>
          %dma_start3A_284 = tpu.memref_squeeze %dma_start3A_283 : memref<1x!tpu.dma_semaphore, #tpu.memory_space<semaphore_mem>> -> memref<!tpu.dma_semaphore, #tpu.memory_space<semaphore_mem>>
          %dma_start3A_285 = arith.constant 0 : i32
          %dma_start3A_286 = arith.constant 0 : i32
          %dma_start3A_287 = tpu.memref_slice %run_scoped3A[%rem3A_274, %dma_start3A_285, %dma_start3A_286] : memref<2x1x256xi32, #tpu.memory_space<vmem>> -> memref<1x1x256xi32, #tpu.memory_space<vmem>>
          %dma_start3A_288 = tpu.memref_squeeze %dma_start3A_287 : memref<1x1x256xi32, #tpu.memory_space<vmem>> -> memref<1x256xi32, #tpu.memory_space<vmem>>
          %dma_start3A_289 = arith.constant 0 : i32
          %dma_start3A_290 = tpu.memref_slice %arg3[%dma_start3A_289, %mul3A_276] : memref<1x16384xi32, #tpu.memory_space<hbm>> -> memref<1x256xi32, #tpu.memory_space<hbm>>
          tpu.enqueue_dma source(%dma_start3A_290 : memref<1x256xi32, #tpu.memory_space<hbm>>) target(%dma_start3A_288 : memref<1x256xi32, #tpu.memory_space<vmem>>) target_semaphore(%dma_start3A_284 : memref<!tpu.dma_semaphore, #tpu.memory_space<semaphore_mem>>)
          "tpu.trace_stop"() : () -> ()
        } else {
        }
        %and3A_172 = arith.constant true
        %and3A_173 = arith.andi %and3A, %and3A_172 : i1
        %add3A_174 = arith.constant 1 : i32
        %add3A_175 = arith.addi %scan3A_131, %add3A_174 : i32
        %select_n3A_176 = arith.select %and3A_173, %add3A_175, %scan3A_131 : i32
        %ne3A_177 = arith.cmpi ne, %add3A_140, %add3A_158 : i32
        %or3A_178 = arith.constant false
        %or3A_179 = arith.ori %or3A_178, %ne3A_177 : i1
        %or3A_180 = arith.constant false
        %or3A_181 = arith.ori %or3A_179, %or3A_180 : i1
        %ge3A_182 = arith.constant 1 : i32
        %ge3A_183 = arith.cmpi sge, %scan3A_130, %ge3A_182 : i32
        %not3A_184 = arith.constant true
        %not3A_185 = arith.xori %ge3A_183, %not3A_184 : i1
        %and3A_186 = arith.andi %or3A_181, %not3A_185 : i1
        %ne3A_187 = arith.cmpi ne, %add3A_140, %add3A_149 : i32
        %or3A_188 = arith.constant false
        %or3A_189 = arith.ori %or3A_188, %ne3A_187 : i1
        %or3A_190 = arith.ori %or3A_189, %eq3A_137 : i1
        %convert_element_type3A_191 = arith.extui %or3A_190 : i1 to i32
        %cond3A_192 = arith.constant 0 : i32
        %cond3A_193 = arith.cmpi ne, %convert_element_type3A_191, %cond3A_192 : i32
        scf.if %cond3A_193 {
          "tpu.trace_start"() <{level = 10 : i32, message = "ep_wait_in"}> : () -> ()
          %mul3A_273 = arith.constant 256 : i32
          %mul3A_274 = arith.muli %mul3A_273, %add3A_140 : i32
          %rem3A_275 = arith.constant 2 : i32
          %rem3A_276 = arith.remui %scan3A_132, %rem3A_275 : i32
          %dma_wait3A_277 = arith.constant 0 : i32
          %dma_wait3A_278 = arith.constant 0 : i32
          %dma_wait3A_279 = tpu.memref_slice %run_scoped3A[%rem3A_276, %dma_wait3A_277, %dma_wait3A_278] : memref<2x1x256xi32, #tpu.memory_space<vmem>> -> memref<1x1x256xi32, #tpu.memory_space<vmem>>
          %dma_wait3A_280 = tpu.memref_squeeze %dma_wait3A_279 : memref<1x1x256xi32, #tpu.memory_space<vmem>> -> memref<1x256xi32, #tpu.memory_space<vmem>>
          %dma_wait3A_281 = arith.constant 0 : i32
          %dma_wait3A_282 = tpu.memref_slice %arg3[%dma_wait3A_281, %mul3A_274] : memref<1x16384xi32, #tpu.memory_space<hbm>> -> memref<1x256xi32, #tpu.memory_space<hbm>>
          %dma_wait3A_283 = tpu.memref_slice %run_scoped3A_16[%rem3A_276] : memref<2x!tpu.dma_semaphore, #tpu.memory_space<semaphore_mem>> -> memref<1x!tpu.dma_semaphore, #tpu.memory_space<semaphore_mem>>
          %dma_wait3A_284 = tpu.memref_squeeze %dma_wait3A_283 : memref<1x!tpu.dma_semaphore, #tpu.memory_space<semaphore_mem>> -> memref<!tpu.dma_semaphore, #tpu.memory_space<semaphore_mem>>
          %dma_wait3A_285 = arith.constant 0 : i32
          %dma_wait3A_286 = arith.constant 0 : i32
          %dma_wait3A_287 = tpu.memref_slice %run_scoped3A[%rem3A_276, %dma_wait3A_285, %dma_wait3A_286] : memref<2x1x256xi32, #tpu.memory_space<vmem>> -> memref<1x1x256xi32, #tpu.memory_space<vmem>>
          %dma_wait3A_288 = tpu.memref_squeeze %dma_wait3A_287 : memref<1x1x256xi32, #tpu.memory_space<vmem>> -> memref<1x256xi32, #tpu.memory_space<vmem>>
          %dma_wait3A_289 = arith.constant 0 : i32
          %dma_wait3A_290 = tpu.memref_slice %arg3[%dma_wait3A_289, %mul3A_274] : memref<1x16384xi32, #tpu.memory_space<hbm>> -> memref<1x256xi32, #tpu.memory_space<hbm>>
          tpu.wait_dma2 semaphore(%dma_wait3A_284 : memref<!tpu.dma_semaphore, #tpu.memory_space<semaphore_mem>>) src(%dma_wait3A_290 : memref<1x256xi32, #tpu.memory_space<hbm>>) dst(%dma_wait3A_288 : memref<1x256xi32, #tpu.memory_space<vmem>>)
          "tpu.trace_stop"() : () -> ()
        } else {
        }
        %ne3A_194 = arith.cmpi ne, %add3A_140, %add3A_149 : i32
        %or3A_195 = arith.constant false
        %or3A_196 = arith.ori %or3A_195, %ne3A_194 : i1
        %or3A_197 = arith.constant false
        %or3A_198 = arith.ori %or3A_196, %or3A_197 : i1
        %or3A_199 = arith.ori %or3A_198, %eq3A_137 : i1
        %convert_element_type3A_200 = arith.extui %or3A_199 : i1 to i32
        %cond3A_201 = arith.constant 0 : i32
        %cond3A_202 = arith.cmpi ne, %convert_element_type3A_200, %cond3A_201 : i32
        scf.if %cond3A_202 {
        } else {
        }
        %rem3A_203 = arith.constant 2 : i32
        %rem3A_204 = arith.remui %scan3A_132, %rem3A_203 : i32
        %rem3A_205 = arith.constant 2 : i32
        %rem3A_206 = arith.remui %scan3A_133, %rem3A_205 : i32
        %run_scoped3A_207 = arith.constant 0 : i32
        "tpu.trace_start"() <{level = 10 : i32, message = "ep_run_kernel"}> : () -> ()
        "tpu.region"() ({
          %run_scoped3A_273 = tpu.sem_alloc : memref<!tpu.dma_semaphore, #tpu.memory_space<semaphore_mem>>
          %dma_start3A_274 = arith.constant 0 : i32
          %dma_start3A_275 = arith.constant 0 : i32
          %dma_start3A_276 = tpu.memref_slice %run_scoped3A_17[%rem3A_206, %dma_start3A_274, %dma_start3A_275] : memref<2x256x128xf32, #tpu.memory_space<vmem>> -> memref<1x256x128xf32, #tpu.memory_space<vmem>>
          %dma_start3A_277 = tpu.memref_squeeze %dma_start3A_276 : memref<1x256x128xf32, #tpu.memory_space<vmem>> -> memref<256x128xf32, #tpu.memory_space<vmem>>
          %dma_start3A_278 = arith.constant 0 : i32
          %dma_start3A_279 = arith.constant 0 : i32
          %dma_start3A_280 = tpu.memref_slice %run_scoped3A[%rem3A_204, %dma_start3A_278, %dma_start3A_279] : memref<2x1x256xi32, #tpu.memory_space<vmem>> -> memref<1x1x256xi32, #tpu.memory_space<vmem>>
          %dma_start3A_281 = tpu.memref_squeeze %dma_start3A_280 : memref<1x1x256xi32, #tpu.memory_space<vmem>> -> memref<1x256xi32, #tpu.memory_space<vmem>>
          %dma_start3A_282 = arith.constant 0 : i32
          %dma_start3A_283 = tpu.memref_slice %dma_start3A_281[%run_scoped3A_207, %dma_start3A_282] : memref<1x256xi32, #tpu.memory_space<vmem>> -> memref<1x256xi32, #tpu.memory_space<vmem>>
          %dma_start3A_284 = tpu.memref_squeeze %dma_start3A_283 : memref<1x256xi32, #tpu.memory_space<vmem>> -> memref<256xi32, #tpu.memory_space<vmem>>
          %dma_start3A_285 = arith.constant 0 : i32
          %dma_start3A_286 = arith.constant 0 : i32
          %dma_start3A_287 = tpu.memref_slice %arg5[%dma_start3A_285, %dma_start3A_286] : memref<100000x128xf32, #tpu.memory_space<hbm>> -> memref<100000x128xf32, #tpu.memory_space<hbm>>
          tpu.enqueue_indirect_dma source(%dma_start3A_287 : memref<100000x128xf32, #tpu.memory_space<hbm>>) target(%dma_start3A_277 : memref<256x128xf32, #tpu.memory_space<vmem>>) offsets(%dma_start3A_284 : memref<256xi32, #tpu.memory_space<vmem>>) semaphore(%run_scoped3A_273 : memref<!tpu.dma_semaphore, #tpu.memory_space<semaphore_mem>>)
          %dma_wait3A_288 = arith.constant 0 : i32
          %dma_wait3A_289 = arith.constant 0 : i32
          %dma_wait3A_290 = tpu.memref_slice %run_scoped3A_17[%rem3A_206, %dma_wait3A_288, %dma_wait3A_289] : memref<2x256x128xf32, #tpu.memory_space<vmem>> -> memref<1x256x128xf32, #tpu.memory_space<vmem>>
          %dma_wait3A_291 = tpu.memref_squeeze %dma_wait3A_290 : memref<1x256x128xf32, #tpu.memory_space<vmem>> -> memref<256x128xf32, #tpu.memory_space<vmem>>
          %dma_wait3A_292 = arith.constant 0 : i32
          %dma_wait3A_293 = arith.constant 0 : i32
          %dma_wait3A_294 = tpu.memref_slice %run_scoped3A[%rem3A_204, %dma_wait3A_292, %dma_wait3A_293] : memref<2x1x256xi32, #tpu.memory_space<vmem>> -> memref<1x1x256xi32, #tpu.memory_space<vmem>>
          %dma_wait3A_295 = tpu.memref_squeeze %dma_wait3A_294 : memref<1x1x256xi32, #tpu.memory_space<vmem>> -> memref<1x256xi32, #tpu.memory_space<vmem>>
          %dma_wait3A_296 = arith.constant 0 : i32
          %dma_wait3A_297 = tpu.memref_slice %dma_wait3A_295[%run_scoped3A_207, %dma_wait3A_296] : memref<1x256xi32, #tpu.memory_space<vmem>> -> memref<1x256xi32, #tpu.memory_space<vmem>>
          %dma_wait3A_298 = tpu.memref_squeeze %dma_wait3A_297 : memref<1x256xi32, #tpu.memory_space<vmem>> -> memref<256xi32, #tpu.memory_space<vmem>>
          %dma_wait3A_299 = arith.constant 0 : i32
          %dma_wait3A_300 = arith.constant 0 : i32
          %dma_wait3A_301 = tpu.memref_slice %arg5[%dma_wait3A_299, %dma_wait3A_300] : memref<100000x128xf32, #tpu.memory_space<hbm>> -> memref<100000x128xf32, #tpu.memory_space<hbm>>
          tpu.wait_indirect_dma semaphore(%run_scoped3A_273 : memref<!tpu.dma_semaphore, #tpu.memory_space<semaphore_mem>>) src(%dma_wait3A_301 : memref<100000x128xf32, #tpu.memory_space<hbm>>) dst(%dma_wait3A_291 : memref<256x128xf32, #tpu.memory_space<vmem>>)
          tpu.yield
        }) : () -> ()
        "tpu.trace_stop"() : () -> ()
        %ne3A_208 = arith.cmpi ne, %add3A_140, %add3A_158 : i32
        %or3A_209 = arith.constant false
        %or3A_210 = arith.ori %or3A_209, %ne3A_208 : i1
        %or3A_211 = arith.ori %or3A_210, %eq3A_139 : i1
        %convert_element_type3A_212 = arith.extui %or3A_211 : i1 to i32
        %cond3A_213 = arith.constant 0 : i32
        %cond3A_214 = arith.cmpi ne, %convert_element_type3A_212, %cond3A_213 : i32
        scf.if %cond3A_214 {
        } else {
        }
        %and3A_215 = arith.constant false
        %and3A_216 = arith.andi %or3A_211, %and3A_215 : i1
        %ne3A_217 = arith.cmpi ne, %add3A_140, %add3A_158 : i32
        %or3A_218 = arith.constant false
        %or3A_219 = arith.ori %or3A_218, %ne3A_217 : i1
        %or3A_220 = arith.constant false
        %or3A_221 = arith.ori %or3A_219, %or3A_220 : i1
        %or3A_222 = arith.ori %or3A_221, %eq3A_139 : i1
        %convert_element_type3A_223 = arith.extui %or3A_222 : i1 to i32
        %cond3A_224 = arith.constant 0 : i32
        %cond3A_225 = arith.cmpi ne, %convert_element_type3A_223, %cond3A_224 : i32
        scf.if %cond3A_225 {
          "tpu.trace_start"() <{level = 10 : i32, message = "ep_copy_out"}> : () -> ()
          %rem3A_273 = arith.constant 2 : i32
          %rem3A_274 = arith.remui %scan3A_133, %rem3A_273 : i32
          %mul3A_275 = arith.constant 256 : i32
          %mul3A_276 = arith.muli %mul3A_275, %add3A_140 : i32
          %dma_start3A_277 = arith.constant 0 : i32
          %dma_start3A_278 = arith.constant 0 : i32
          %dma_start3A_279 = tpu.memref_slice %run_scoped3A_17[%rem3A_274, %dma_start3A_277, %dma_start3A_278] : memref<2x256x128xf32, #tpu.memory_space<vmem>> -> memref<1x256x128xf32, #tpu.memory_space<vmem>>
          %dma_start3A_280 = tpu.memref_squeeze %dma_start3A_279 : memref<1x256x128xf32, #tpu.memory_space<vmem>> -> memref<256x128xf32, #tpu.memory_space<vmem>>
          %dma_start3A_281 = arith.constant 0 : i32
          %dma_start3A_282 = tpu.memref_slice %arg7[%mul3A_276, %dma_start3A_281] : memref<16384x128xf32, #tpu.memory_space<hbm>> -> memref<256x128xf32, #tpu.memory_space<hbm>>
          %dma_start3A_283 = tpu.memref_slice %run_scoped3A_18[%rem3A_274] : memref<2x!tpu.dma_semaphore, #tpu.memory_space<semaphore_mem>> -> memref<1x!tpu.dma_semaphore, #tpu.memory_space<semaphore_mem>>
          %dma_start3A_284 = tpu.memref_squeeze %dma_start3A_283 : memref<1x!tpu.dma_semaphore, #tpu.memory_space<semaphore_mem>> -> memref<!tpu.dma_semaphore, #tpu.memory_space<semaphore_mem>>
          %dma_start3A_285 = arith.constant 0 : i32
          %dma_start3A_286 = tpu.memref_slice %arg7[%mul3A_276, %dma_start3A_285] : memref<16384x128xf32, #tpu.memory_space<hbm>> -> memref<256x128xf32, #tpu.memory_space<hbm>>
          %dma_start3A_287 = arith.constant 0 : i32
          %dma_start3A_288 = arith.constant 0 : i32
          %dma_start3A_289 = tpu.memref_slice %run_scoped3A_17[%rem3A_274, %dma_start3A_287, %dma_start3A_288] : memref<2x256x128xf32, #tpu.memory_space<vmem>> -> memref<1x256x128xf32, #tpu.memory_space<vmem>>
          %dma_start3A_290 = tpu.memref_squeeze %dma_start3A_289 : memref<1x256x128xf32, #tpu.memory_space<vmem>> -> memref<256x128xf32, #tpu.memory_space<vmem>>
          tpu.enqueue_dma source(%dma_start3A_290 : memref<256x128xf32, #tpu.memory_space<vmem>>) target(%dma_start3A_286 : memref<256x128xf32, #tpu.memory_space<hbm>>) target_semaphore(%dma_start3A_284 : memref<!tpu.dma_semaphore, #tpu.memory_space<semaphore_mem>>)
          "tpu.trace_stop"() : () -> ()
        } else {
        }
        %and3A_226 = arith.constant true
        %and3A_227 = arith.andi %or3A_222, %and3A_226 : i1
        %add3A_228 = arith.constant 1 : i32
        %add3A_229 = arith.addi %scan3A_133, %add3A_228 : i32
        %select_n3A_230 = arith.select %and3A_227, %add3A_229, %scan3A_133 : i32
        %ne3A_231 = arith.cmpi ne, %add3A_140, %add3A_149 : i32
        %or3A_232 = arith.constant false
        %or3A_233 = arith.ori %or3A_232, %ne3A_231 : i1
        %not3A_234 = arith.constant true
        %not3A_235 = arith.xori %eq3A_137, %not3A_234 : i1
        %and3A_236 = arith.andi %or3A_233, %not3A_235 : i1
        %convert_element_type3A_237 = arith.extui %and3A_236 : i1 to i32
        %cond3A_238 = arith.constant 0 : i32
        %cond3A_239 = arith.cmpi ne, %convert_element_type3A_237, %cond3A_238 : i32
        scf.if %cond3A_239 {
        } else {
        }
        %and3A_240 = arith.constant false
        %and3A_241 = arith.andi %and3A_236, %and3A_240 : i1
        %ne3A_242 = arith.cmpi ne, %add3A_140, %add3A_149 : i32
        %or3A_243 = arith.constant false
        %or3A_244 = arith.ori %or3A_243, %ne3A_242 : i1
        %or3A_245 = arith.constant false
        %or3A_246 = arith.ori %or3A_244, %or3A_245 : i1
        %not3A_247 = arith.constant true
        %not3A_248 = arith.xori %eq3A_137, %not3A_247 : i1
        %and3A_249 = arith.andi %or3A_246, %not3A_248 : i1
        %convert_element_type3A_250 = arith.extui %and3A_249 : i1 to i32
        %cond3A_251 = arith.constant 0 : i32
        %cond3A_252 = arith.cmpi ne, %convert_element_type3A_250, %cond3A_251 : i32
        scf.if %cond3A_252 {
          "tpu.trace_start"() <{level = 10 : i32, message = "ep_wait_out"}> : () -> ()
          %rem3A_273 = arith.constant 2 : i32
          %rem3A_274 = arith.remui %scan3A_134, %rem3A_273 : i32
          %mul3A_275 = arith.constant 256 : i32
          %mul3A_276 = arith.muli %mul3A_275, %add3A_149 : i32
          %dma_wait3A_277 = arith.constant 0 : i32
          %dma_wait3A_278 = arith.constant 0 : i32
          %dma_wait3A_279 = tpu.memref_slice %run_scoped3A_17[%rem3A_274, %dma_wait3A_277, %dma_wait3A_278] : memref<2x256x128xf32, #tpu.memory_space<vmem>> -> memref<1x256x128xf32, #tpu.memory_space<vmem>>
          %dma_wait3A_280 = tpu.memref_squeeze %dma_wait3A_279 : memref<1x256x128xf32, #tpu.memory_space<vmem>> -> memref<256x128xf32, #tpu.memory_space<vmem>>
          %dma_wait3A_281 = arith.constant 0 : i32
          %dma_wait3A_282 = tpu.memref_slice %arg7[%mul3A_276, %dma_wait3A_281] : memref<16384x128xf32, #tpu.memory_space<hbm>> -> memref<256x128xf32, #tpu.memory_space<hbm>>
          %dma_wait3A_283 = tpu.memref_slice %run_scoped3A_18[%rem3A_274] : memref<2x!tpu.dma_semaphore, #tpu.memory_space<semaphore_mem>> -> memref<1x!tpu.dma_semaphore, #tpu.memory_space<semaphore_mem>>
          %dma_wait3A_284 = tpu.memref_squeeze %dma_wait3A_283 : memref<1x!tpu.dma_semaphore, #tpu.memory_space<semaphore_mem>> -> memref<!tpu.dma_semaphore, #tpu.memory_space<semaphore_mem>>
          %dma_wait3A_285 = arith.constant 0 : i32
          %dma_wait3A_286 = tpu.memref_slice %arg7[%mul3A_276, %dma_wait3A_285] : memref<16384x128xf32, #tpu.memory_space<hbm>> -> memref<256x128xf32, #tpu.memory_space<hbm>>
          %dma_wait3A_287 = arith.constant 0 : i32
          %dma_wait3A_288 = arith.constant 0 : i32
          %dma_wait3A_289 = tpu.memref_slice %run_scoped3A_17[%rem3A_274, %dma_wait3A_287, %dma_wait3A_288] : memref<2x256x128xf32, #tpu.memory_space<vmem>> -> memref<1x256x128xf32, #tpu.memory_space<vmem>>
          %dma_wait3A_290 = tpu.memref_squeeze %dma_wait3A_289 : memref<1x256x128xf32, #tpu.memory_space<vmem>> -> memref<256x128xf32, #tpu.memory_space<vmem>>
          tpu.wait_dma2 semaphore(%dma_wait3A_284 : memref<!tpu.dma_semaphore, #tpu.memory_space<semaphore_mem>>) src(%dma_wait3A_290 : memref<256x128xf32, #tpu.memory_space<vmem>>) dst(%dma_wait3A_286 : memref<256x128xf32, #tpu.memory_space<hbm>>)
          "tpu.trace_stop"() : () -> ()
        } else {
        }
        %and3A_253 = arith.constant true
        %and3A_254 = arith.andi %and3A_249, %and3A_253 : i1
        %add3A_255 = arith.constant 1 : i32
        %add3A_256 = arith.addi %scan3A_134, %add3A_255 : i32
        %select_n3A_257 = arith.select %and3A_254, %add3A_256, %scan3A_134 : i32
        %ne3A_258 = arith.cmpi ne, %add3A_140, %add3A_158 : i32
        %or3A_259 = arith.constant false
        %or3A_260 = arith.ori %or3A_259, %ne3A_258 : i1
        %or3A_261 = arith.ori %or3A_260, %eq3A_139 : i1
        %add3A_262 = arith.constant 1 : i32
        %add3A_263 = arith.addi %scan3A_132, %add3A_262 : i32
        %select_n3A_264 = arith.select %or3A_261, %add3A_263, %scan3A_132 : i32
        %add3A_265 = arith.constant 1 : i32
        %add3A_266 = arith.addi %scan3A_135, %add3A_265 : i32
        %select_n3A_267 = arith.constant true
        %select_n3A_268 = arith.select %select_n3A_267, %add3A_266, %scan3A_135 : i32
        %eq3A_269 = arith.constant 2 : i32
        %eq3A_270 = arith.cmpi eq, %select_n3A_268, %eq3A_269 : i32
        %select_n3A_271 = arith.constant 0 : i32
        %select_n3A_272 = arith.select %eq3A_270, %select_n3A_271, %select_n3A_268 : i32
        scf.yield %select_n3A_176, %select_n3A_264, %select_n3A_230, %select_n3A_257, %select_n3A_272 : i32, i32, i32, i32, i32
      }
      %scan3A_77 = arith.constant 2 : i32
      %sub3A = arith.constant 1 : i32
      %sub3A_78 = arith.subi %scan3A_76#4, %sub3A : i32
      %select_n3A_79 = arith.constant true
      %select_n3A_80 = arith.select %select_n3A_79, %sub3A_78, %scan3A_76#4 : i32
      %eq3A_81 = arith.constant -1 : i32
      %eq3A_82 = arith.cmpi eq, %select_n3A_80, %eq3A_81 : i32
      %select_n3A_83 = arith.constant 1 : i32
      %select_n3A_84 = arith.select %eq3A_82, %select_n3A_83, %select_n3A_80 : i32
      %add3A_85 = arith.addi %select_n3A_84, %mul3A_15 : i32
      %sub3A_86 = arith.constant 1 : i32
      %sub3A_87 = arith.subi %select_n3A_84, %sub3A_86 : i32
      %select_n3A_88 = arith.constant true
      %select_n3A_89 = arith.select %select_n3A_88, %sub3A_87, %select_n3A_84 : i32
      %eq3A_90 = arith.constant -1 : i32
      %eq3A_91 = arith.cmpi eq, %select_n3A_89, %eq3A_90 : i32
      %select_n3A_92 = arith.constant 1 : i32
      %select_n3A_93 = arith.select %eq3A_91, %select_n3A_92, %select_n3A_89 : i32
      %add3A_94 = arith.addi %select_n3A_93, %mul3A_15 : i32
      %add3A_95 = arith.constant 1 : i32
      %add3A_96 = arith.addi %select_n3A_84, %add3A_95 : i32
      %select_n3A_97 = arith.constant true
      %select_n3A_98 = arith.select %select_n3A_97, %add3A_96, %select_n3A_84 : i32
      %eq3A_99 = arith.constant 2 : i32
      %eq3A_100 = arith.cmpi eq, %select_n3A_98, %eq3A_99 : i32
      %select_n3A_101 = arith.constant 0 : i32
      %select_n3A_102 = arith.select %eq3A_100, %select_n3A_101, %select_n3A_98 : i32
      %add3A_103 = arith.addi %select_n3A_102, %mul3A_15 : i32
      %add3A_104 = arith.constant 1 : i32
      %add3A_105 = arith.addi %select_n3A_102, %add3A_104 : i32
      %select_n3A_106 = arith.constant true
      %select_n3A_107 = arith.select %select_n3A_106, %add3A_105, %select_n3A_102 : i32
      %eq3A_108 = arith.constant 2 : i32
      %eq3A_109 = arith.cmpi eq, %select_n3A_107, %eq3A_108 : i32
      %select_n3A_110 = arith.constant 0 : i32
      %select_n3A_111 = arith.select %eq3A_109, %select_n3A_110, %select_n3A_107 : i32
      %add3A_112 = arith.addi %select_n3A_111, %mul3A_15 : i32
      "tpu.trace_start"() <{level = 10 : i32, message = "ep_finalize"}> : () -> ()
      %rem3A_113 = arith.constant 2 : i32
      %rem3A_114 = arith.remui %scan3A_76#3, %rem3A_113 : i32
      %mul3A_115 = arith.constant 256 : i32
      %mul3A_116 = arith.muli %mul3A_115, %add3A_85 : i32
      %dma_wait3A = arith.constant 0 : i32
      %dma_wait3A_117 = arith.constant 0 : i32
      %dma_wait3A_118 = tpu.memref_slice %run_scoped3A_17[%rem3A_114, %dma_wait3A, %dma_wait3A_117] : memref<2x256x128xf32, #tpu.memory_space<vmem>> -> memref<1x256x128xf32, #tpu.memory_space<vmem>>
      %dma_wait3A_119 = tpu.memref_squeeze %dma_wait3A_118 : memref<1x256x128xf32, #tpu.memory_space<vmem>> -> memref<256x128xf32, #tpu.memory_space<vmem>>
      %dma_wait3A_120 = arith.constant 0 : i32
      %dma_wait3A_121 = tpu.memref_slice %arg7[%mul3A_116, %dma_wait3A_120] : memref<16384x128xf32, #tpu.memory_space<hbm>> -> memref<256x128xf32, #tpu.memory_space<hbm>>
      %dma_wait3A_122 = tpu.memref_slice %run_scoped3A_18[%rem3A_114] : memref<2x!tpu.dma_semaphore, #tpu.memory_space<semaphore_mem>> -> memref<1x!tpu.dma_semaphore, #tpu.memory_space<semaphore_mem>>
      %dma_wait3A_123 = tpu.memref_squeeze %dma_wait3A_122 : memref<1x!tpu.dma_semaphore, #tpu.memory_space<semaphore_mem>> -> memref<!tpu.dma_semaphore, #tpu.memory_space<semaphore_mem>>
      %dma_wait3A_124 = arith.constant 0 : i32
      %dma_wait3A_125 = tpu.memref_slice %arg7[%mul3A_116, %dma_wait3A_124] : memref<16384x128xf32, #tpu.memory_space<hbm>> -> memref<256x128xf32, #tpu.memory_space<hbm>>
      %dma_wait3A_126 = arith.constant 0 : i32
      %dma_wait3A_127 = arith.constant 0 : i32
      %dma_wait3A_128 = tpu.memref_slice %run_scoped3A_17[%rem3A_114, %dma_wait3A_126, %dma_wait3A_127] : memref<2x256x128xf32, #tpu.memory_space<vmem>> -> memref<1x256x128xf32, #tpu.memory_space<vmem>>
      %dma_wait3A_129 = tpu.memref_squeeze %dma_wait3A_128 : memref<1x256x128xf32, #tpu.memory_space<vmem>> -> memref<256x128xf32, #tpu.memory_space<vmem>>
      tpu.wait_dma2 semaphore(%dma_wait3A_123 : memref<!tpu.dma_semaphore, #tpu.memory_space<semaphore_mem>>) src(%dma_wait3A_129 : memref<256x128xf32, #tpu.memory_space<vmem>>) dst(%dma_wait3A_125 : memref<256x128xf32, #tpu.memory_space<hbm>>)
      "tpu.trace_stop"() : () -> ()
      tpu.yield
    }) : () -> ()
    return
  }
}

module attributes {stable_mosaic.version = 14 : i64} {
  func.func @_tc_pack_kernel(%arg0: i32, %arg1: memref<32x3584xf32, #tpu.memory_space<vmem>>, %arg2: memref<32x3584xf32, #tpu.memory_space<vmem>>, %arg3: memref<32x3584xf32, #tpu.memory_space<vmem>>, %arg4: memref<32x3584xf32, #tpu.memory_space<vmem>>, %arg5: memref<128x128xf32, #tpu.memory_space<vmem>>, %arg6: memref<3584x128xf32, #tpu.memory_space<vmem>>) attributes {dimension_semantics = [#tpu.dimension_semantics<arbitrary>], iteration_bounds = array<i64: 14>, scalar_prefetch = 0 : i64, scratch_operands = 0 : i64, tpu.core_type = #tpu.core_type<tc>, window_params = [{transform_indices = @transform_0, window_bounds = array<i64: 32, 3584>}, {transform_indices = @transform_1, window_bounds = array<i64: 32, 3584>}, {transform_indices = @transform_2, window_bounds = array<i64: 32, 3584>}, {transform_indices = @transform_3, window_bounds = array<i64: 32, 3584>}, {pipeline_mode = #tpu.pipeline_mode<synchronous>, transform_indices = @transform_4, window_bounds = array<i64: 128, 128>}, {transform_indices = @transform_5, window_bounds = array<i64: 3584, 128>}]} {
    %get3A = arith.constant 0 : index
    %get3A_0 = arith.constant 0 : index
    %get3A_1 = vector.load %arg1[%get3A, %get3A_0] : memref<32x3584xf32, #tpu.memory_space<vmem>>, vector<32x3584xf32>
    %get3A_2 = arith.constant 0 : index
    %get3A_3 = arith.constant 0 : index
    %get3A_4 = vector.load %arg2[%get3A_2, %get3A_3] : memref<32x3584xf32, #tpu.memory_space<vmem>>, vector<32x3584xf32>
    %get3A_5 = arith.constant 0 : index
    %get3A_6 = arith.constant 0 : index
    %get3A_7 = vector.load %arg3[%get3A_5, %get3A_6] : memref<32x3584xf32, #tpu.memory_space<vmem>>, vector<32x3584xf32>
    %get3A_8 = arith.constant 0 : index
    %get3A_9 = arith.constant 0 : index
    %get3A_10 = vector.load %arg4[%get3A_8, %get3A_9] : memref<32x3584xf32, #tpu.memory_space<vmem>>, vector<32x3584xf32>
    %concatenate3A = tpu.concatenate %get3A_1, %get3A_4, %get3A_7, %get3A_10 in 0 : vector<32x3584xf32>, vector<32x3584xf32>, vector<32x3584xf32>, vector<32x3584xf32> -> vector<128x3584xf32>
    %get3A_11 = arith.constant 0 : index
    %get3A_12 = arith.constant 0 : index
    %get3A_13 = vector.load %arg5[%get3A_11, %get3A_12] : memref<128x128xf32, #tpu.memory_space<vmem>>, vector<128x128xf32>
    %dot_general3A = arith.constant dense<0.000000e+00> : vector<3584x128xf32>
    %dot_general3A_14 = tpu.matmul %concatenate3A, %get3A_13, %dot_general3A {dimension_numbers = #tpu.dot_dimension_numbers<[0], [0], [1], [1], [0, 1, 1, 1], [], []>, transpose_lhs_hint = false} : vector<128x3584xf32>, vector<128x128xf32>, vector<3584x128xf32> -> vector<3584x128xf32>
    %swap3A = arith.constant 0 : index
    %swap3A_15 = arith.constant 0 : index
    %swap3A_16 = vector.load %arg6[%swap3A, %swap3A_15] : memref<3584x128xf32, #tpu.memory_space<vmem>>, vector<3584x128xf32>
    tpu.vector_store %arg6[%swap3A, %swap3A_15], %dot_general3A_14 {strides = array<i32>} : memref<3584x128xf32, #tpu.memory_space<vmem>>, vector<3584x128xf32>,
    return
  }
  func.func @transform_0(%arg0: i32) -> (i32, i32) {
    %add3A = arith.constant 0 : i32
    %add3A_0 = arith.addi %arg0, %add3A : i32
    %c0_i32 = arith.constant 0 : i32
    %c0_i32_1 = arith.constant 0 : i32
    return %c0_i32, %add3A_0 : i32, i32
  }
  func.func @transform_1(%arg0: i32) -> (i32, i32) {
    %add3A = arith.constant 0 : i32
    %add3A_0 = arith.addi %arg0, %add3A : i32
    %c0_i32 = arith.constant 0 : i32
    %c0_i32_1 = arith.constant 0 : i32
    return %c0_i32, %add3A_0 : i32, i32
  }
  func.func @transform_2(%arg0: i32) -> (i32, i32) {
    %add3A = arith.constant 14 : i32
    %add3A_0 = arith.addi %arg0, %add3A : i32
    %c0_i32 = arith.constant 0 : i32
    %c0_i32_1 = arith.constant 0 : i32
    return %c0_i32, %add3A_0 : i32, i32
  }
  func.func @transform_3(%arg0: i32) -> (i32, i32) {
    %add3A = arith.constant 14 : i32
    %add3A_0 = arith.addi %arg0, %add3A : i32
    %c0_i32 = arith.constant 0 : i32
    %c0_i32_1 = arith.constant 0 : i32
    return %c0_i32, %add3A_0 : i32, i32
  }
  func.func @transform_4(%arg0: i32) -> (i32, i32) {
    %c0_i32 = arith.constant 0 : i32
    %c0_i32_0 = arith.constant 0 : i32
    %c0_i32_1 = arith.constant 0 : i32
    return %c0_i32, %c0_i32_0 : i32, i32
  }
  func.func @transform_5(%arg0: i32) -> (i32, i32) {
    %c0_i32 = arith.constant 0 : i32
    %c0_i32_0 = arith.constant 0 : i32
    return %arg0, %c0_i32 : i32, i32
  }
}

module attributes {stable_mosaic.version = 14 : i64} {
  func.func @_tc_dense_kernel(%arg0: i32, %arg1: memref<4096x128xf32, #tpu.memory_space<vmem>>, %arg2: memref<4096x128xf32, #tpu.memory_space<vmem>>, %arg3: memref<4096x2xf32, #tpu.memory_space<vmem>>, %arg4: memref<4096x128xf32, #tpu.memory_space<vmem>>, %arg5: memref<4096x128xf32, #tpu.memory_space<vmem>>, %arg6: memref<128x128xf32, #tpu.memory_space<vmem>>, %arg7: memref<128x128xf32, #tpu.memory_space<vmem>>, %arg8: memref<1x128xf32, #tpu.memory_space<vmem>>, %arg9: memref<128x64xf32, #tpu.memory_space<vmem>>, %arg10: memref<1x64xf32, #tpu.memory_space<vmem>>, %arg11: memref<64x32xf32, #tpu.memory_space<vmem>>, %arg12: memref<1x32xf32, #tpu.memory_space<vmem>>, %arg13: memref<128x1xf32, #tpu.memory_space<vmem>>, %arg14: memref<32x1xf32, #tpu.memory_space<vmem>>, %arg15: memref<1x1xf32, #tpu.memory_space<vmem>>, %arg16: memref<4096x1xf32, #tpu.memory_space<vmem>>) attributes {dimension_semantics = [#tpu.dimension_semantics<arbitrary>], iteration_bounds = array<i64: 4>, scalar_prefetch = 0 : i64, scratch_operands = 0 : i64, tpu.core_type = #tpu.core_type<tc>, window_params = [{transform_indices = @transform_0, window_bounds = array<i64: 4096, 128>}, {transform_indices = @transform_1, window_bounds = array<i64: 4096, 128>}, {transform_indices = @transform_2, window_bounds = array<i64: 4096, 2>}, {transform_indices = @transform_3, window_bounds = array<i64: 4096, 128>}, {transform_indices = @transform_4, window_bounds = array<i64: 4096, 128>}, {pipeline_mode = #tpu.pipeline_mode<synchronous>, transform_indices = @transform_5, window_bounds = array<i64: 128, 128>}, {pipeline_mode = #tpu.pipeline_mode<synchronous>, transform_indices = @transform_6, window_bounds = array<i64: 128, 128>}, {pipeline_mode = #tpu.pipeline_mode<synchronous>, transform_indices = @transform_7, window_bounds = array<i64: 1, 128>}, {pipeline_mode = #tpu.pipeline_mode<synchronous>, transform_indices = @transform_8, window_bounds = array<i64: 128, 64>}, {pipeline_mode = #tpu.pipeline_mode<synchronous>, transform_indices = @transform_9, window_bounds = array<i64: 1, 64>}, {pipeline_mode = #tpu.pipeline_mode<synchronous>, transform_indices = @transform_10, window_bounds = array<i64: 64, 32>}, {pipeline_mode = #tpu.pipeline_mode<synchronous>, transform_indices = @transform_11, window_bounds = array<i64: 1, 32>}, {pipeline_mode = #tpu.pipeline_mode<synchronous>, transform_indices = @transform_12, window_bounds = array<i64: 128, 1>}, {pipeline_mode = #tpu.pipeline_mode<synchronous>, transform_indices = @transform_13, window_bounds = array<i64: 32, 1>}, {pipeline_mode = #tpu.pipeline_mode<synchronous>, transform_indices = @transform_14, window_bounds = array<i64: 1, 1>}, {transform_indices = @transform_15, window_bounds = array<i64: 4096, 1>}]} {
    %get3A = arith.constant 0 : index
    %get3A_0 = arith.constant 0 : index
    %get3A_1 = vector.load %arg4[%get3A, %get3A_0] : memref<4096x128xf32, #tpu.memory_space<vmem>>, vector<4096x128xf32>
    %get3A_2 = arith.constant 0 : index
    %get3A_3 = arith.constant 0 : index
    %get3A_4 = vector.load %arg6[%get3A_2, %get3A_3] : memref<128x128xf32, #tpu.memory_space<vmem>>, vector<128x128xf32>
    %dot_general3A = arith.constant dense<0.000000e+00> : vector<4096x128xf32>
    %dot_general3A_5 = tpu.matmul %get3A_1, %get3A_4, %dot_general3A {dimension_numbers = #tpu.dot_dimension_numbers<[1], [0], [0], [1], [0, 0, 1, 1], [], []>, transpose_lhs_hint = false} : vector<4096x128xf32>, vector<128x128xf32>, vector<4096x128xf32> -> vector<4096x128xf32>
    %get3A_6 = arith.constant 0 : index
    %get3A_7 = arith.constant 0 : index
    %get3A_8 = vector.load %arg5[%get3A_6, %get3A_7] : memref<4096x128xf32, #tpu.memory_space<vmem>>, vector<4096x128xf32>
    %get3A_9 = arith.constant 0 : index
    %get3A_10 = arith.constant 0 : index
    %get3A_11 = vector.load %arg7[%get3A_9, %get3A_10] : memref<128x128xf32, #tpu.memory_space<vmem>>, vector<128x128xf32>
    %dot_general3A_12 = arith.constant dense<0.000000e+00> : vector<4096x128xf32>
    %dot_general3A_13 = tpu.matmul %get3A_8, %get3A_11, %dot_general3A_12 {dimension_numbers = #tpu.dot_dimension_numbers<[1], [0], [0], [1], [0, 0, 1, 1], [], []>, transpose_lhs_hint = false} : vector<4096x128xf32>, vector<128x128xf32>, vector<4096x128xf32> -> vector<4096x128xf32>
    %add3A = arith.addf %dot_general3A_5, %dot_general3A_13 : vector<4096x128xf32>
    %get3A_14 = arith.constant 0 : index
    %get3A_15 = arith.constant 0 : index
    %get3A_16 = vector.load %arg8[%get3A_14, %get3A_15] : memref<1x128xf32, #tpu.memory_space<vmem>>, vector<1x128xf32>
    %add3A_17 = vector.broadcast %get3A_16 : vector<1x128xf32> to vector<4096x128xf32>
    %add3A_18 = arith.addf %add3A, %add3A_17 : vector<4096x128xf32>
    %max3A = arith.constant 0.000000e+00 : f32
    %max3A_19 = vector.broadcast %max3A : f32 to vector<4096x128xf32>
    %max3A_20 = arith.maximumf %add3A_18, %max3A_19 : vector<4096x128xf32>
    %get3A_21 = arith.constant 0 : index
    %get3A_22 = arith.constant 0 : index
    %get3A_23 = vector.load %arg9[%get3A_21, %get3A_22] : memref<128x64xf32, #tpu.memory_space<vmem>>, vector<128x64xf32>
    %dot_general3A_24 = arith.constant dense<0.000000e+00> : vector<4096x64xf32>
    %dot_general3A_25 = tpu.matmul %max3A_20, %get3A_23, %dot_general3A_24 {dimension_numbers = #tpu.dot_dimension_numbers<[1], [0], [0], [1], [0, 0, 1, 1], [], []>, transpose_lhs_hint = false} : vector<4096x128xf32>, vector<128x64xf32>, vector<4096x64xf32> -> vector<4096x64xf32>
    %get3A_26 = arith.constant 0 : index
    %get3A_27 = arith.constant 0 : index
    %get3A_28 = vector.load %arg10[%get3A_26, %get3A_27] : memref<1x64xf32, #tpu.memory_space<vmem>>, vector<1x64xf32>
    %add3A_29 = vector.broadcast %get3A_28 : vector<1x64xf32> to vector<4096x64xf32>
    %add3A_30 = arith.addf %dot_general3A_25, %add3A_29 : vector<4096x64xf32>
    %max3A_31 = arith.constant 0.000000e+00 : f32
    %max3A_32 = vector.broadcast %max3A_31 : f32 to vector<4096x64xf32>
    %max3A_33 = arith.maximumf %add3A_30, %max3A_32 : vector<4096x64xf32>
    %get3A_34 = arith.constant 0 : index
    %get3A_35 = arith.constant 0 : index
    %get3A_36 = vector.load %arg11[%get3A_34, %get3A_35] : memref<64x32xf32, #tpu.memory_space<vmem>>, vector<64x32xf32>
    %dot_general3A_37 = arith.constant dense<0.000000e+00> : vector<4096x32xf32>
    %dot_general3A_38 = tpu.matmul %max3A_33, %get3A_36, %dot_general3A_37 {dimension_numbers = #tpu.dot_dimension_numbers<[1], [0], [0], [1], [0, 0, 1, 1], [], []>, transpose_lhs_hint = false} : vector<4096x64xf32>, vector<64x32xf32>, vector<4096x32xf32> -> vector<4096x32xf32>
    %get3A_39 = arith.constant 0 : index
    %get3A_40 = arith.constant 0 : index
    %get3A_41 = vector.load %arg12[%get3A_39, %get3A_40] : memref<1x32xf32, #tpu.memory_space<vmem>>, vector<1x32xf32>
    %add3A_42 = vector.broadcast %get3A_41 : vector<1x32xf32> to vector<4096x32xf32>
    %add3A_43 = arith.addf %dot_general3A_38, %add3A_42 : vector<4096x32xf32>
    %max3A_44 = arith.constant 0.000000e+00 : f32
    %max3A_45 = vector.broadcast %max3A_44 : f32 to vector<4096x32xf32>
    %max3A_46 = arith.maximumf %add3A_43, %max3A_45 : vector<4096x32xf32>
    %get3A_47 = arith.constant 0 : index
    %get3A_48 = arith.constant 0 : index
    %get3A_49 = vector.load %arg1[%get3A_47, %get3A_48] : memref<4096x128xf32, #tpu.memory_space<vmem>>, vector<4096x128xf32>
    %get3A_50 = arith.constant 0 : index
    %get3A_51 = arith.constant 0 : index
    %get3A_52 = vector.load %arg2[%get3A_50, %get3A_51] : memref<4096x128xf32, #tpu.memory_space<vmem>>, vector<4096x128xf32>
    %get3A_53 = arith.constant 0 : index
    %get3A_54 = arith.constant 0 : index
    %get3A_55 = vector.load %arg3[%get3A_53, %get3A_54] : memref<4096x2xf32, #tpu.memory_space<vmem>>, vector<4096x1xf32>
    %gt3A = arith.constant 5.000000e-01 : f32
    %gt3A_56 = vector.broadcast %gt3A : f32 to vector<4096x1xf32>
    %gt3A_57 = arith.cmpf ogt, %get3A_55, %gt3A_56 : vector<4096x1xf32>
    %get3A_58 = arith.constant 0 : index
    %get3A_59 = arith.constant 1 : index
    %get3A_60 = vector.load %arg3[%get3A_58, %get3A_59] : memref<4096x2xf32, #tpu.memory_space<vmem>>, vector<4096x1xf32>
    %gt3A_61 = arith.constant 5.000000e-01 : f32
    %gt3A_62 = vector.broadcast %gt3A_61 : f32 to vector<4096x1xf32>
    %gt3A_63 = arith.cmpf ogt, %get3A_60, %gt3A_62 : vector<4096x1xf32>
    %slice3A = vector.extract_strided_slice %get3A_49 {offsets = [0, 64], sizes = [4096, 64], strides = [1, 1]} : vector<4096x128xf32> to vector<4096x64xf32>
    %slice3A_64 = vector.extract_strided_slice %get3A_49 {offsets = [0, 0], sizes = [4096, 64], strides = [1, 1]} : vector<4096x128xf32> to vector<4096x64xf32>
    %concatenate3A = tpu.concatenate %slice3A, %slice3A_64 in 1 : vector<4096x64xf32>, vector<4096x64xf32> -> vector<4096x128xf32>
    %broadcast_in_dim3A = vector.shape_cast %gt3A_57 : vector<4096x1xi1> to vector<4096x1xi1>
    %broadcast_in_dim3A_65 = vector.broadcast %broadcast_in_dim3A : vector<4096x1xi1> to vector<4096x128xi1>
    %select_n3A = arith.select %broadcast_in_dim3A_65, %concatenate3A, %get3A_49 : vector<4096x128xi1>, vector<4096x128xf32>
    %slice3A_66 = vector.extract_strided_slice %get3A_52 {offsets = [0, 96], sizes = [4096, 32], strides = [1, 1]} : vector<4096x128xf32> to vector<4096x32xf32>
    %slice3A_67 = vector.extract_strided_slice %get3A_52 {offsets = [0, 0], sizes = [4096, 96], strides = [1, 1]} : vector<4096x128xf32> to vector<4096x96xf32>
    %concatenate3A_68 = tpu.concatenate %slice3A_66, %slice3A_67 in 1 : vector<4096x32xf32>, vector<4096x96xf32> -> vector<4096x128xf32>
    %slice3A_69 = vector.extract_strided_slice %get3A_52 {offsets = [0, 32], sizes = [4096, 96], strides = [1, 1]} : vector<4096x128xf32> to vector<4096x96xf32>
    %slice3A_70 = vector.extract_strided_slice %get3A_52 {offsets = [0, 0], sizes = [4096, 32], strides = [1, 1]} : vector<4096x128xf32> to vector<4096x32xf32>
    %concatenate3A_71 = tpu.concatenate %slice3A_69, %slice3A_70 in 1 : vector<4096x96xf32>, vector<4096x32xf32> -> vector<4096x128xf32>
    %broadcast_in_dim3A_72 = vector.shape_cast %gt3A_63 : vector<4096x1xi1> to vector<4096x1xi1>
    %broadcast_in_dim3A_73 = vector.broadcast %broadcast_in_dim3A_72 : vector<4096x1xi1> to vector<4096x128xi1>
    %select_n3A_74 = arith.select %broadcast_in_dim3A_73, %concatenate3A_68, %concatenate3A_71 : vector<4096x128xi1>, vector<4096x128xf32>
    %mul3A = arith.mulf %select_n3A, %select_n3A_74 : vector<4096x128xf32>
    %get3A_75 = arith.constant 0 : index
    %get3A_76 = arith.constant 0 : index
    %get3A_77 = vector.load %arg13[%get3A_75, %get3A_76] : memref<128x1xf32, #tpu.memory_space<vmem>>, vector<128x1xf32>
    %dot_general3A_78 = arith.constant dense<0.000000e+00> : vector<4096x1xf32>
    %dot_general3A_79 = tpu.matmul %mul3A, %get3A_77, %dot_general3A_78 {dimension_numbers = #tpu.dot_dimension_numbers<[1], [0], [0], [1], [0, 0, 1, 1], [], []>, transpose_lhs_hint = false} : vector<4096x128xf32>, vector<128x1xf32>, vector<4096x1xf32> -> vector<4096x1xf32>
    %get3A_80 = arith.constant 0 : index
    %get3A_81 = arith.constant 0 : index
    %get3A_82 = vector.load %arg14[%get3A_80, %get3A_81] : memref<32x1xf32, #tpu.memory_space<vmem>>, vector<32x1xf32>
    %dot_general3A_83 = arith.constant dense<0.000000e+00> : vector<4096x1xf32>
    %dot_general3A_84 = tpu.matmul %max3A_46, %get3A_82, %dot_general3A_83 {dimension_numbers = #tpu.dot_dimension_numbers<[1], [0], [0], [1], [0, 0, 1, 1], [], []>, transpose_lhs_hint = false} : vector<4096x32xf32>, vector<32x1xf32>, vector<4096x1xf32> -> vector<4096x1xf32>
    %add3A_85 = arith.addf %dot_general3A_79, %dot_general3A_84 : vector<4096x1xf32>
    %get3A_86 = arith.constant 0 : index
    %get3A_87 = arith.constant 0 : index
    %get3A_88 = vector.load %arg15[%get3A_86, %get3A_87] : memref<1x1xf32, #tpu.memory_space<vmem>>, vector<1x1xf32>
    %get3A_89 = vector.extract %get3A_88[0, 0] : f32 from vector<1x1xf32>
    %add3A_90 = vector.broadcast %get3A_89 : f32 to vector<4096x1xf32>
    %add3A_91 = arith.addf %add3A_85, %add3A_90 : vector<4096x1xf32>
    %swap3A = arith.constant 0 : index
    %swap3A_92 = arith.constant 0 : index
    %swap3A_93 = vector.load %arg16[%swap3A, %swap3A_92] : memref<4096x1xf32, #tpu.memory_space<vmem>>, vector<4096x1xf32>
    tpu.vector_store %arg16[%swap3A, %swap3A_92], %add3A_91 {strides = array<i32>} : memref<4096x1xf32, #tpu.memory_space<vmem>>, vector<4096x1xf32>,
    return
  }
  func.func @transform_0(%arg0: i32) -> (i32, i32) {
    %c0_i32 = arith.constant 0 : i32
    %c0_i32_0 = arith.constant 0 : i32
    return %arg0, %c0_i32 : i32, i32
  }
  func.func @transform_1(%arg0: i32) -> (i32, i32) {
    %c0_i32 = arith.constant 0 : i32
    %c0_i32_0 = arith.constant 0 : i32
    return %arg0, %c0_i32 : i32, i32
  }
  func.func @transform_2(%arg0: i32) -> (i32, i32) {
    %c0_i32 = arith.constant 0 : i32
    %c0_i32_0 = arith.constant 0 : i32
    return %arg0, %c0_i32 : i32, i32
  }
  func.func @transform_3(%arg0: i32) -> (i32, i32) {
    %c0_i32 = arith.constant 0 : i32
    %c0_i32_0 = arith.constant 0 : i32
    return %arg0, %c0_i32 : i32, i32
  }
  func.func @transform_4(%arg0: i32) -> (i32, i32) {
    %c0_i32 = arith.constant 0 : i32
    %c0_i32_0 = arith.constant 0 : i32
    return %arg0, %c0_i32 : i32, i32
  }
  func.func @transform_5(%arg0: i32) -> (i32, i32) {
    %c0_i32 = arith.constant 0 : i32
    %c0_i32_0 = arith.constant 0 : i32
    %c0_i32_1 = arith.constant 0 : i32
    return %c0_i32, %c0_i32_0 : i32, i32
  }
  func.func @transform_6(%arg0: i32) -> (i32, i32) {
    %c0_i32 = arith.constant 0 : i32
    %c0_i32_0 = arith.constant 0 : i32
    %c0_i32_1 = arith.constant 0 : i32
    return %c0_i32, %c0_i32_0 : i32, i32
  }
  func.func @transform_7(%arg0: i32) -> (i32, i32) {
    %c0_i32 = arith.constant 0 : i32
    %c0_i32_0 = arith.constant 0 : i32
    %c0_i32_1 = arith.constant 0 : i32
    return %c0_i32, %c0_i32_0 : i32, i32
  }
  func.func @transform_8(%arg0: i32) -> (i32, i32) {
    %c0_i32 = arith.constant 0 : i32
    %c0_i32_0 = arith.constant 0 : i32
    %c0_i32_1 = arith.constant 0 : i32
    return %c0_i32, %c0_i32_0 : i32, i32
  }
  func.func @transform_9(%arg0: i32) -> (i32, i32) {
    %c0_i32 = arith.constant 0 : i32
    %c0_i32_0 = arith.constant 0 : i32
    %c0_i32_1 = arith.constant 0 : i32
    return %c0_i32, %c0_i32_0 : i32, i32
  }
  func.func @transform_10(%arg0: i32) -> (i32, i32) {
    %c0_i32 = arith.constant 0 : i32
    %c0_i32_0 = arith.constant 0 : i32
    %c0_i32_1 = arith.constant 0 : i32
    return %c0_i32, %c0_i32_0 : i32, i32
  }
  func.func @transform_11(%arg0: i32) -> (i32, i32) {
    %c0_i32 = arith.constant 0 : i32
    %c0_i32_0 = arith.constant 0 : i32
    %c0_i32_1 = arith.constant 0 : i32
    return %c0_i32, %c0_i32_0 : i32, i32
  }
  func.func @transform_12(%arg0: i32) -> (i32, i32) {
    %c0_i32 = arith.constant 0 : i32
    %c0_i32_0 = arith.constant 0 : i32
    %c0_i32_1 = arith.constant 0 : i32
    return %c0_i32, %c0_i32_0 : i32, i32
  }
  func.func @transform_13(%arg0: i32) -> (i32, i32) {
    %c0_i32 = arith.constant 0 : i32
    %c0_i32_0 = arith.constant 0 : i32
    %c0_i32_1 = arith.constant 0 : i32
    return %c0_i32, %c0_i32_0 : i32, i32
  }
  func.func @transform_14(%arg0: i32) -> (i32, i32) {
    %c0_i32 = arith.constant 0 : i32
    %c0_i32_0 = arith.constant 0 : i32
    %c0_i32_1 = arith.constant 0 : i32
    return %c0_i32, %c0_i32_0 : i32, i32
  }
  func.func @transform_15(%arg0: i32) -> (i32, i32) {
    %c0_i32 = arith.constant 0 : i32
    %c0_i32_0 = arith.constant 0 : i32
    return %arg0, %c0_i32 : i32, i32
  }
}

</mosaic_0001>

<sc_bundles>
// kernel: kernel.6.cloned.1.call-start
scs
__scs_entry_jumppad:
0x0: {  	(pc) =	sbr.rel $0x88, $3  }
0x1: {  	(tag) =	ssettag $0x0;
	lr =	simm.s32 $0x1  }
0x2: {  	[smem:$0x3F93] =	sst lr;
	_ =	strace $0xD0000000  }
0x3: {  	_ = 	snop  }
0x4: {  	_ = 	snop  }
0x5: {  	_ = 	snop  }
0x6: {  	_ = 	snop  }
0x7: {  	_ = 	snop  }
__scs_overlays_trampoline_lowered:
0x8: {  	[smem:$0x3FA2] =	sst s0  }
0x9: {  	[smem:$0x3FA3] =	sst s1  }
0xa: {  	[smem:$0x3FA4] =	sst s2  }
0xb: {  	[smem:$0x3FA5] =	sst s3  }
0xc: {  	[smem:$0x3FA6] =	sst s4  }
0xd: {  	[smem:$0x3FA7] =	sst s5  }
0xe: {  	[smem:$0x3FA8] =	sst s6  }
0xf: {  	[smem:$0x3FA9] =	sst s7  }
0x10: {  	[smem:$0x3FAA] =	sst s8  }
0x11: {  	[smem:$0x3FAB] =	sst s9;
	s0 =	simm.s32 @!p0 $0x0  }
0x12: {  	s1 =	sld [smem:$0x3F91];
	s0 =	simm.s32 @p0 $0x1  }
0x13: {  	[smem:$0x3FAC] =	sst s0;
	s0 =	simm.s32 @!p1 $0x0  }
0x14: {  	s2 =	sld [smem:$0x3F90];
	s0 =	simm.s32 @p1 $0x1  }
0x15: {  	[smem:$0x3FAD] =	sst s0;
	s0 =	simm.s32 @!p2 $0x0  }
0x16: {  	s3 =	sld [smem:$0x3FDB];
	s0 =	simm.s32 @p2 $0x1  }
0x17: {  	s4 =	simm.s32 $0x1BF5;
	[smem:$0x3FAF] =	sst s0  }
0x18: {  	s0 =	sld [smem:$0x3F92];
	_ =	swait.ge [sflag:s4], $0x0  }
0x19: {  	s7 =	sld [smem:$0x3F93]  }
0x1a: {  	s8 =	sadd.s32 $0xFFFFE003, lr  }
0x1b: {  	s9 =	sadd.s32 $0xFFFFFEF7, lr;
	s5 =	simm.s32 $0xFFFFFFFF;
	p2 =	slt.u32 s8, $0xFFFFF086  }
0x1c: {  	p1 =	slt.u32 s9, $0xF7A;
	s5 =	simm.s32 @!p2 $0x0  }
0x1d: {  	s5 =	simm.s32 @p1 $0x1;
	p0 =	seq.s32 s7, s2  }
0x1e: {  	s7 =	smul.u32 @!p0 $0xF7A, s2;
	p2 =	seq.s32 @!p0 s5, $0x0  }
0x1f: {  	s9 =	smul.u32 $0xF7A, s1;
	s8 =	simm.s32 @!p0 $0x1BF5;
	p2 =	por !p2, p0  }
0x20: {  	[sflag:s8] =	ssyncset.s32 @!p0 $0xFFFFF086;
	s6 =	sadd.s32 @!p0 s3, s7;
	s7 =	simm.s32 @!p0 $0x108  }
0x21: {  	s3 =	sadd.s32 s3, s9;
	s6 =	sadd.s32 @!p0 $0x88, s6;
	s7 =	simm.s32 @p2 $0x1082  }
0x22: {  	[simem:s7], [sflag:s8] =	dma.local @!p0 [hbm:s6], $0xF7A  }
0x23: {  	s9 =	sor.u32 $0xD0000000, s2;
	s6 =	simm.s32 $0x108;
	_ =	swait.ge @!p0 [sflag:s8], $0x0  }
0x24: {  	s3 =	sadd.s32 $0x88, s3;
	s6 =	simm.s32 @!p1 $0x1082;
	[sflag:s4] =	ssyncset.s32 $0xFFFFF086  }
0x25: {  	[simem:s6], [sflag:s4] =	dma.local [hbm:s3], $0xF7A  }
0x26: {  	[smem:$0x3F93] =	sst s1;
	(tag) =	ssettag s2;
	_ =	strace s9  }
0x27: {  	s1 =	sld [smem:$0x3FA3]  }
0x28: {  	s2 =	sld [smem:$0x3FA4]  }
0x29: {  	s4 =	sld [smem:$0x3FA6]  }
0x2a: {  	p0 =	seq.s32 s5, $0x0;
	s5 =	sld [smem:$0x3FA7]  }
0x2b: {  	s6 =	sld [smem:$0x3FA8]  }
0x2c: {  	s7 =	sld [smem:$0x3FA9]  }
0x2d: {  	s3 =	simm.s32 $0x108;
	s8 =	sld [smem:$0x3FAA]  }
0x2e: {  	s3 =	simm.s32 @!p0 $0x1082;
	s9 =	sld [smem:$0x3FAB]  }
0x2f: {  	lr =	sadd.s32 s0, s3;
	s0 =	sld [smem:$0x3FA2]  }
0x30: {  	s3 =	sld [smem:$0x3FA5]  }
0x31: {  	[smem:$0x3FAE] =	sst s10  }
0x32: {  	s10 =	sld [smem:$0x3FAC];
	_ =	sdelay $0x3  }
0x33: {  	p0 =	seq.s32 s10, $0x1;
	s10 =	sld [smem:$0x3FAE];
	_ =	sdelay $0x3  }
0x34: {  	[smem:$0x3FAE] =	sst s10  }
0x35: {  	s10 =	sld [smem:$0x3FAD];
	_ =	sdelay $0x3  }
0x36: {  	p1 =	seq.s32 s10, $0x1;
	s10 =	sld [smem:$0x3FAE];
	_ =	sdelay $0x3  }
0x37: {  	[smem:$0x3FAE] =	sst s10  }
0x38: {  	s10 =	sld [smem:$0x3FAF]  }
0x39: {  	_ = 	snop;
	(pc) =	sbr.ind lr, $3  }
0x3a: {  	_ = 	snop  }
0x3b: {  	_ = 	snop  }
0x3c: {  	p2 =	seq.s32 s10, $0x1;
	s10 =	sld [smem:$0x3FAE]  }
0x3d: {  	_ =	shalt  }
0x3e: {  	_ =	shalt  }
0x3f: {  	_ =	shalt  }
0x40: {  	_ =	shalt  }
0x41: {  	_ =	shalt  }
0x42: {  	_ =	shalt  }
0x43: {  	_ =	shalt  }
0x44: {  	_ =	shalt  }
0x45: {  	_ =	shalt  }
0x46: {  	_ =	shalt  }
0x47: {  	_ =	shalt  }
0x48: {  	_ =	shalt  }
0x49: {  	_ =	shalt  }
0x4a: {  	_ =	shalt  }
0x4b: {  	_ =	shalt  }
0x4c: {  	_ =	shalt  }
0x4d: {  	_ =	shalt  }
0x4e: {  	_ =	shalt  }
0x4f: {  	_ =	shalt  }
0x50: {  	_ =	shalt  }
0x51: {  	_ =	shalt  }
0x52: {  	_ =	shalt  }
0x53: {  	_ =	shalt  }
0x54: {  	_ =	shalt  }
0x55: {  	_ =	shalt  }
0x56: {  	_ =	shalt  }
0x57: {  	_ =	shalt  }
0x58: {  	_ =	shalt  }
0x59: {  	_ =	shalt  }
0x5a: {  	_ =	shalt  }
0x5b: {  	_ =	shalt  }
0x5c: {  	_ =	shalt  }
0x5d: {  	_ =	shalt  }
0x5e: {  	_ =	shalt  }
0x5f: {  	_ =	shalt  }
0x60: {  	_ =	shalt  }
0x61: {  	_ =	shalt  }
0x62: {  	_ =	shalt  }
0x63: {  	_ =	shalt  }
0x64: {  	_ =	shalt  }
0x65: {  	_ =	shalt  }
0x66: {  	_ =	shalt  }
0x67: {  	_ =	shalt  }
0x68: {  	_ =	shalt  }
0x69: {  	_ =	shalt  }
0x6a: {  	_ =	shalt  }
0x6b: {  	_ =	shalt  }
0x6c: {  	_ =	shalt  }
0x6d: {  	_ =	shalt  }
0x6e: {  	_ =	shalt  }
0x6f: {  	_ =	shalt  }
0x70: {  	_ =	shalt  }
0x71: {  	_ =	shalt  }
0x72: {  	_ =	shalt  }
0x73: {  	_ =	shalt  }
0x74: {  	_ =	shalt  }
0x75: {  	_ =	shalt  }
0x76: {  	_ =	shalt  }
0x77: {  	_ =	shalt  }
0x78: {  	_ =	shalt  }
0x79: {  	_ =	shalt  }
0x7a: {  	_ =	shalt  }
0x7b: {  	_ =	shalt  }
0x7c: {  	_ =	shalt  }
0x7d: {  	_ =	shalt  }
0x7e: {  	_ =	shalt  }
0x7f: {  	_ =	shalt  }
0x80: {  	_ =	shalt  }
0x81: {  	_ =	shalt  }
0x82: {  	_ =	shalt  }
0x83: {  	_ =	shalt  }
0x84: {  	_ =	shalt  }
0x85: {  	_ =	shalt  }
0x86: {  	_ =	shalt  }
0x87: {  	_ =	shalt  }
.Lfunc_end0:
.L_simem_size_0:
called_computation_lowered:
.L_overlay_start_0:
0x88: {  	s2 =	sld [smem:$0x3FD9]  }
0x89: {  	s3 =	sld [smem:$0x3FFE];
	_ =	sdelay $0x1  }
0x8a: {  	s1 =	srdreg.scid  }
0x8b: {  	s0 =	sand.u32 $0x1, s1  }
0x8c: {  	s17 =	sshll.u32 s0, $0xA;
	s2 =	sadd.s32 s3, s2  }
0x8d: {  	s2 =	sadd.s32 s2, s17  }
0x8e: {  	[smem:$0x3FBA] =	sst s2  }
0x8f: {  	_ = 	snop  }
0x90: {  	s2 =	sld [smem:$0x3FC9]  }
0x91: {  	s18 =	sld [smem:$0x3FC8]  }
0x92: {  	s4 =	sld [smem:$0x3FC5]  }
0x93: {  	s5 =	sld [smem:$0x3FC4];
	(tm) =	ssettm $0x1  }
0x94: {  	s6 =	sld [smem:$0x3FFB];
	_ =	sdelay $0x3  }
0x95: {  	_ =	strace s6  }
0x96: {  	s6 =	sld [smem:$0x3FFC];
	_ =	sdelay $0x3  }
0x97: {  	_ =	strace s6  }
0x98: {  	s6 =	sld [smem:$0x3FFD];
	_ =	sdelay $0x3  }
0x99: {  	_ =	strace s6  }
0x9a: {  	_ =	strace $0x8FFFFFFF  }
0x9b: {  	s19 =	sld [smem:$0x3FDB];
	_ =	sdelay $0x1  }
0x9c: {  	s7 =	simm.s32 $_scs_section_size  }
0x9d: {  	s8 =	simm.s32 $_size__tile_overlayer_lowered;
	s9 =	simm.s32 $_tile_overlayer_lowered  }
0x9e: {  	s22 =	simm.s32 $0x1BFF;
	s21 =	sshll.u32 s9, $0x1;
	s6 =	sadd.s32 s7, s19  }
0x9f: {  	s10 =	simm.s32 $0x0;
	s20 =	sshll.u32 s8, $0x1;
	s8 =	sadd.s32 s21, s6  }
0xa0: {  	[timem:s10], [sflag:s22] =	dma.local [hbm:s8], s20  }
0xa1: {  	_ =	swait.ge [sflag:s22], s20  }
0xa2: {  	s7 =	ssub.s32 $0x0, s20;
	[sflag:s22] =	ssyncset.done $0x0  }
0xa3: {  	[sflag:s22] =	ssyncadd.s32 s7;
	_ =	sdelay $0x1  }
0xa4: {  	s23 =	simm.s32 $0x1B8B  }
0xa5: {  	_ =	swait.ge [sflag:s23], $0x1  }
0xa6: {  	[sflag:s23] =	ssyncset.done $0x0  }
0xa7: {  	s25 =	simm.s32 $0x1B8E;
	s24 =	sld [smem:$0x3FFE];
	[sflag:s23] =	ssyncadd.s32 $0xFFFFFFFF  }
0xa8: {  	s26 =	simm.s32 $execute0_lowered;
	[smem:$0x3FD2] =	sst s25  }
0xa9: {  	s8 =	sshll.u32 s26, $0x1;
	_ =	strace $0x80000046;
	[dreg:$0x1] =	wrdreg $0xFFFFFFFF  }
0xaa: {  	s28 =	simm.s32 $_size_execute0_lowered;
	s6 =	sadd.s32 s6, s8;
	[dreg:$0x0] =	wrdreg $0x0  }
0xab: {  	s8 =	sshll.u32 s28, $0x1;
	[dreg:$0x2] =	wrdreg s6  }
0xac: {  	[dreg:$0x3] =	wrdreg s8  }
0xad: {  	[dreg:$0x4] =	wrdreg $0xC0  }
0xae: {  	_ =	task [dreg:s10], $0x5FFFF  }
0xaf: {  	[dreg:$0x1] =	wrdreg $0xFFFFFFFF  }
0xb0: {  	[dreg:$0x0] =	wrdreg $0x60  }
0xb1: {  	[dreg:$0x2] =	wrdreg s2  }
0xb2: {  	[dreg:$0x3] =	wrdreg s18  }
0xb3: {  	[dreg:$0x4] =	wrdreg s4  }
0xb4: {  	[dreg:$0x5] =	wrdreg s5  }
0xb5: {  	[dreg:$0x6] =	wrdreg s24  }
0xb6: {  	[dreg:$0x7] =	wrdreg $0x9  }
0xb7: {  	_ =	task.clear_ibuf [dreg:s10], $0x8FFFF;
	_ =	strace $0x90000046  }
0xb8: {  	s29 =	simm.s32 $0x9;
	_ =	strace $0x80000056  }
0xb9: {  	_ =	swait.ge [sflag:s29], $0x1  }
0xba: {  	[sflag:s29] =	ssyncadd.s32 $0xFFFFFFFF  }
0xbb: {  	_ =	strace $0x90000056  }
0xbc: {  	_ =	sfence  }
0xbd: {  	s30 =	sld [smem:$0x0];
	_ =	sdelay $0x2  }
0xbe: {  	s31 =	sshll.u32 s1, $0xD;
	s1 =	sshrl.u32 s1, $0x2  }
0xbf: {  	s3 =	sand.u32 $0x4000, s31;
	s1 =	sadd.s32 s1, s30  }
0xc0: {  	s0 =	sor.u32 s3, s0;
	s1 =	sshll.u32 s1, $0x11  }
0xc1: {  	s0 =	sor.u32 s1, s0  }
0xc2: {  	s0 =	sadd.s32 $0x8F2B, s0  }
0xc3: {  	[sflag:s0] =	ssyncadd.remote.s32 $0x1  }
0xc4: {  	_ =	sfence.sel $0xFFFF  }
0xc5: {  	[dreg:$0x0] =	wrdreg $0xFFFFFFFF;
	(pc) =	sbr.abs _section_cstart, $3  }
0xc6: {  	[dreg:$0x1] =	wrdreg $0xFFFFFFFF  }
0xc7: {  	_ =	task.clear_ibuf [dreg:s10], $0x2FFFF;
	_ =	strace $0x9FFFFFFF  }
0xc8: {  	(tm) =	ssettm $0x7FFFFFFF  }
0xc9: {  	_ =	shalt  }
tec
execute0_lowered:
.L_overlay_start_1:
0x0: {  	(tag) =	ssettag $0x1  }
0x1: {  	s5 =	rddreg [dreg:$0x0]  }
0x2: {  	s18 =	rddreg [dreg:$0x1]  }
0x3: {  	s1 =	rddreg [dreg:$0x2]  }
0x4: {  	s2 =	rddreg [dreg:$0x3];
	s3 =	srdreg.scid  }
0x5: {  	s19 =	rddreg [dreg:$0x4];
	s21 =	sand.u32 $0x1, s3  }
0x6: {  	s4 =	simm.s32 $0x0;
	s3 =	stileid.u32;
	s6 =	sshll.u32 s21, $0x4  }
0x7: {  	[smem:$0x7FF] =	sst s4;
	s14 =	sor.u32 s3, s6  }
0x8: {  	s0 =	rddreg [dreg:$0x5];
	_ =	strace $0x80000047;
	s17 =	sshll.u32 s14, $0x6  }
0x9: {  	_ =	strace $0x80000048;
	s5 =	sadd.s32 s5, s17  }
0xa: {  	[tilespmem:s4], [sflag:$0x1] =	stream.linear.gather [hbm4b:s5+s4], $0x100, $0x200038;
	[tilespmem:$0x10200] =	vst v63  }
0xb: {  	_ =	strace $0x90000048  }
0xc: {  	s7 =	simm.s32 $0x100;
	s6 =	sadd.s32 $0x20, s5;
	_ =	strace $0x80000049  }
0xd: {  	[tilespmem:s7], [sflag:$0x2] =	stream.linear.gather [hbm4b:s6+s4], $0x100, $0x200038;
	[tilespmem:$0x10200] =	vst v63  }
0xe: {  	_ =	strace $0x90000049  }
0xf: {  	s8 =	simm.s32 $0x1;
	_ =	strace $0x8000004A  }
0x10: {  	_ =	swait.ge [sflag:s8], $0x100  }
0x11: {  	[sflag:s8] =	ssyncset.done $0x0  }
0x12: {  	[sflag:s8] =	ssyncadd.s32 $0xFFFFFF00  }
0x13: {  	_ =	strace $0x9000004A  }
0x14: {  	s9 =	simm.s32 $0x200;
	s10 =	simm.s32 $0x5;
	_ =	strace $0x8000004B  }
0x15: {  	[tilespmem:s9], [sflag:$0x5] =	stream.indirect.gather [hbm4b:s1+s7], $0x80, s4, s7, $0x2000b8;
	[tilespmem:$0x10200] =	vst v63  }
0x16: {  	_ =	swait.ge [sflag:s10], $0x8000  }
0x17: {  	[sflag:s10] =	ssyncset.done $0x0  }
0x18: {  	[sflag:s10] =	ssyncadd.s32 $0xFFFF8000  }
0x19: {  	s15 =	sadd.s32 $0x3400, s19;
	s20 =	sshll.u32 s14, $0xD;
	_ =	strace $0x9000004B  }
0x1a: {  	s11 =	sadd.s32 s15, s20;
	_ =	strace $0x8000004C  }
0x1b: {  	[hbm4b:s11+s4] =	stream.linear.scatter [tilespmem:s9], [sflag:$0x3], $0x8000, $0x200038;
	[tilespmem:$0x10200] =	vst v63  }
0x1c: {  	_ =	strace $0x9000004C  }
0x1d: {  	s12 =	simm.s32 $0x2;
	_ =	strace $0x8000004A  }
0x1e: {  	_ =	swait.ge [sflag:s12], $0x100  }
0x1f: {  	[sflag:s12] =	ssyncset.done $0x0  }
0x20: {  	[sflag:s12] =	ssyncadd.s32 $0xFFFFFF00  }
0x21: {  	_ =	strace $0x9000004A  }
0x22: {  	s13 =	simm.s32 $0x8200;
	_ =	strace $0x8000004B  }
0x23: {  	[tilespmem:s13], [sflag:$0x5] =	stream.indirect.gather [hbm4b:s1+s7], $0x80, s7, s7, $0x2000b8;
	[tilespmem:$0x10200] =	vst v63  }
0x24: {  	_ =	swait.ge [sflag:s10], $0x8000  }
0x25: {  	[sflag:s10] =	ssyncset.done $0x0  }
0x26: {  	s22 =	sshllo.u32 s14, $0x1;
	[sflag:s10] =	ssyncadd.s32 $0xFFFF8000  }
0x27: {  	s23 =	sshll.u32 s22, $0xC;
	_ =	strace $0x9000004B  }
0x28: {  	s14 =	sadd.s32 s15, s23;
	_ =	strace $0x8000004C  }
0x29: {  	[hbm4b:s14+s4] =	stream.linear.scatter [tilespmem:s13], [sflag:$0x4], $0x8000, $0x200038;
	[tilespmem:$0x10200] =	vst v63  }
0x2a: {  	_ =	strace $0x9000004C  }
0x2b: {  	s15 =	simm.s32 $0x3;
	_ =	strace $0x8000004D  }
0x2c: {  	_ =	swait.ge [sflag:s15], $0x8000  }
0x2d: {  	[sflag:s15] =	ssyncset.done $0x0  }
0x2e: {  	[sflag:s15] =	ssyncadd.s32 $0xFFFF8000  }
0x2f: {  	_ =	strace $0x9000004D  }
0x30: {  	s16 =	simm.s32 $0x4;
	_ =	strace $0x8000004E  }
0x31: {  	_ =	swait.ge [sflag:s16], $0x8000  }
0x32: {  	[sflag:s16] =	ssyncset.done $0x0  }
0x33: {  	[sflag:s16] =	ssyncadd.s32 $0xFFFF8000  }
0x34: {  	_ =	strace $0x9000004E  }
0x35: {  	s17 =	sadd.s32 s18, s17;
	_ =	strace $0x8000004F  }
0x36: {  	[tilespmem:s4], [sflag:$0x1] =	stream.linear.gather [hbm4b:s17+s4], $0x100, $0x200038;
	[tilespmem:$0x10200] =	vst v63  }
0x37: {  	s22 =	sshll.u32 s22, $0x5;
	_ =	strace $0x9000004F  }
0x38: {  	s18 =	sadd.s32 s18, s22;
	_ =	strace $0x80000050  }
0x39: {  	[tilespmem:s7], [sflag:$0x2] =	stream.linear.gather [hbm4b:s18+s4], $0x100, $0x200038;
	[tilespmem:$0x10200] =	vst v63  }
0x3a: {  	_ =	strace $0x90000050  }
0x3b: {  	_ =	strace $0x80000051  }
0x3c: {  	_ =	swait.ge [sflag:s8], $0x100  }
0x3d: {  	[sflag:s8] =	ssyncset.done $0x0  }
0x3e: {  	[sflag:s8] =	ssyncadd.s32 $0xFFFFFF00  }
0x3f: {  	_ =	strace $0x90000051  }
0x40: {  	_ =	strace $0x80000052  }
0x41: {  	[tilespmem:s9], [sflag:$0x5] =	stream.indirect.gather [hbm4b:s2+s7], $0x80, s4, s7, $0x2000b8;
	[tilespmem:$0x10200] =	vst v63  }
0x42: {  	_ =	swait.ge [sflag:s10], $0x8000  }
0x43: {  	[sflag:s10] =	ssyncset.done $0x0  }
0x44: {  	[sflag:s10] =	ssyncadd.s32 $0xFFFF8000  }
0x45: {  	s30 =	sadd.s32 $0x43400, s19;
	_ =	strace $0x90000052  }
0x46: {  	s19 =	sadd.s32 s30, s20;
	_ =	strace $0x80000053  }
0x47: {  	[hbm4b:s19+s4] =	stream.linear.scatter [tilespmem:s9], [sflag:$0x3], $0x8000, $0x200038;
	[tilespmem:$0x10200] =	vst v63  }
0x48: {  	_ =	strace $0x90000053  }
0x49: {  	_ =	strace $0x80000051  }
0x4a: {  	_ =	swait.ge [sflag:s12], $0x100  }
0x4b: {  	[sflag:s12] =	ssyncset.done $0x0  }
0x4c: {  	[sflag:s12] =	ssyncadd.s32 $0xFFFFFF00  }
0x4d: {  	_ =	strace $0x90000051  }
0x4e: {  	_ =	strace $0x80000052  }
0x4f: {  	[tilespmem:s13], [sflag:$0x5] =	stream.indirect.gather [hbm4b:s2+s7], $0x80, s7, s7, $0x2000b8;
	[tilespmem:$0x10200] =	vst v63  }
0x50: {  	_ =	swait.ge [sflag:s10], $0x8000  }
0x51: {  	[sflag:s10] =	ssyncset.done $0x0  }
0x52: {  	[sflag:s10] =	ssyncadd.s32 $0xFFFF8000  }
0x53: {  	_ =	strace $0x90000052  }
0x54: {  	s20 =	sadd.s32 s30, s23;
	_ =	strace $0x80000053  }
0x55: {  	[hbm4b:s20+s4] =	stream.linear.scatter [tilespmem:s13], [sflag:$0x4], $0x8000, $0x200038;
	[tilespmem:$0x10200] =	vst v63  }
0x56: {  	s21 =	ssub.s32 $0x2, s21;
	_ =	strace $0x90000053  }
0x57: {  	s31 =	sshrl.u32 s21, $0x1;
	_ =	strace $0x80000054  }
0x58: {  	s21 =	ssub.s32 s21, s31;
	_ =	swait.ge [sflag:s15], $0x8000  }
0x59: {  	s21 =	smax.u32 s21, $0x1;
	[sflag:s15] =	ssyncset.done $0x0  }
0x5a: {  	p0 =	sne.s32 s21, $0x1;
	[sflag:s15] =	ssyncadd.s32 $0xFFFF8000  }
.Ltmp0:
0x5b: {  	_ =	strace $0x90000054;
	(pc) =	sbr.rel @!p0 .LBB2_2-.Ltmp0, $4  }
0x5c: {  	_ =	strace $0x80000055  }
0x5d: {  	_ =	swait.ge [sflag:s16], $0x8000  }
0x5e: {  	[sflag:s16] =	ssyncset.done $0x0  }
0x5f: {  	s21 =	sadd.s32 $0xFFFFFFFF, s21;
	[sflag:s16] =	ssyncadd.s32 $0xFFFF8000  }
.LBB2_1:
0x60: {  	p0 =	sne.s32 s21, $0x1;
	s21 =	sadd.s32 $0xFFFFFFFF, s21;
	_ =	strace $0x90000055  }
0x61: {  	_ =	strace $0x80000048  }
0x62: {  	[tilespmem:s4], [sflag:$0x1] =	stream.linear.gather [hbm4b:s5+s4], $0x100, $0x200038;
	[tilespmem:$0x10200] =	vst v63  }
0x63: {  	_ =	strace $0x90000048  }
0x64: {  	_ =	strace $0x80000049  }
0x65: {  	[tilespmem:s7], [sflag:$0x2] =	stream.linear.gather [hbm4b:s6+s4], $0x100, $0x200038;
	[tilespmem:$0x10200] =	vst v63  }
0x66: {  	_ =	strace $0x90000049  }
0x67: {  	_ =	strace $0x8000004A  }
0x68: {  	_ =	swait.ge [sflag:s8], $0x100  }
0x69: {  	[sflag:s8] =	ssyncset.done $0x0  }
0x6a: {  	[sflag:s8] =	ssyncadd.s32 $0xFFFFFF00  }
0x6b: {  	_ =	strace $0x9000004A  }
0x6c: {  	_ =	strace $0x8000004B  }
0x6d: {  	[tilespmem:s9], [sflag:$0x5] =	stream.indirect.gather [hbm4b:s1+s7], $0x80, s4, s7, $0x2000b8;
	[tilespmem:$0x10200] =	vst v63  }
0x6e: {  	_ =	swait.ge [sflag:s10], $0x8000  }
0x6f: {  	[sflag:s10] =	ssyncset.done $0x0  }
0x70: {  	[sflag:s10] =	ssyncadd.s32 $0xFFFF8000  }
0x71: {  	_ =	strace $0x9000004B  }
0x72: {  	_ =	strace $0x8000004C  }
0x73: {  	[hbm4b:s11+s4] =	stream.linear.scatter [tilespmem:s9], [sflag:$0x3], $0x8000, $0x200038;
	[tilespmem:$0x10200] =	vst v63  }
0x74: {  	_ =	strace $0x9000004C  }
0x75: {  	_ =	strace $0x8000004A  }
0x76: {  	_ =	swait.ge [sflag:s12], $0x100  }
0x77: {  	[sflag:s12] =	ssyncset.done $0x0  }
0x78: {  	[sflag:s12] =	ssyncadd.s32 $0xFFFFFF00  }
0x79: {  	_ =	strace $0x9000004A  }
0x7a: {  	_ =	strace $0x8000004B  }
0x7b: {  	[tilespmem:s13], [sflag:$0x5] =	stream.indirect.gather [hbm4b:s1+s7], $0x80, s7, s7, $0x2000b8;
	[tilespmem:$0x10200] =	vst v63  }
0x7c: {  	_ =	swait.ge [sflag:s10], $0x8000  }
0x7d: {  	[sflag:s10] =	ssyncset.done $0x0  }
0x7e: {  	[sflag:s10] =	ssyncadd.s32 $0xFFFF8000  }
0x7f: {  	_ =	strace $0x9000004B  }
0x80: {  	_ =	strace $0x8000004C  }
0x81: {  	[hbm4b:s14+s4] =	stream.linear.scatter [tilespmem:s13], [sflag:$0x4], $0x8000, $0x200038;
	[tilespmem:$0x10200] =	vst v63  }
0x82: {  	_ =	strace $0x9000004C  }
0x83: {  	_ =	strace $0x8000004D  }
0x84: {  	_ =	swait.ge [sflag:s15], $0x8000  }
0x85: {  	[sflag:s15] =	ssyncset.done $0x0  }
0x86: {  	[sflag:s15] =	ssyncadd.s32 $0xFFFF8000  }
0x87: {  	_ =	strace $0x9000004D  }
0x88: {  	_ =	strace $0x8000004E  }
0x89: {  	_ =	swait.ge [sflag:s16], $0x8000  }
0x8a: {  	[sflag:s16] =	ssyncset.done $0x0  }
0x8b: {  	[sflag:s16] =	ssyncadd.s32 $0xFFFF8000  }
0x8c: {  	_ =	strace $0x9000004E  }
0x8d: {  	_ =	strace $0x8000004F  }
0x8e: {  	[tilespmem:s4], [sflag:$0x1] =	stream.linear.gather [hbm4b:s17+s4], $0x100, $0x200038;
	[tilespmem:$0x10200] =	vst v63  }
0x8f: {  	_ =	strace $0x9000004F  }
0x90: {  	_ =	strace $0x80000050  }
0x91: {  	[tilespmem:s7], [sflag:$0x2] =	stream.linear.gather [hbm4b:s18+s4], $0x100, $0x200038;
	[tilespmem:$0x10200] =	vst v63  }
0x92: {  	_ =	strace $0x90000050  }
0x93: {  	_ =	strace $0x80000051  }
0x94: {  	_ =	swait.ge [sflag:s8], $0x100  }
0x95: {  	[sflag:s8] =	ssyncset.done $0x0  }
0x96: {  	[sflag:s8] =	ssyncadd.s32 $0xFFFFFF00  }
0x97: {  	_ =	strace $0x90000051  }
0x98: {  	_ =	strace $0x80000052  }
0x99: {  	[tilespmem:s9], [sflag:$0x5] =	stream.indirect.gather [hbm4b:s2+s7], $0x80, s4, s7, $0x2000b8;
	[tilespmem:$0x10200] =	vst v63  }
0x9a: {  	_ =	swait.ge [sflag:s10], $0x8000  }
0x9b: {  	[sflag:s10] =	ssyncset.done $0x0  }
0x9c: {  	[sflag:s10] =	ssyncadd.s32 $0xFFFF8000  }
0x9d: {  	_ =	strace $0x90000052  }
0x9e: {  	_ =	strace $0x80000053  }
0x9f: {  	[hbm4b:s19+s4] =	stream.linear.scatter [tilespmem:s9], [sflag:$0x3], $0x8000, $0x200038;
	[tilespmem:$0x10200] =	vst v63  }
0xa0: {  	_ =	strace $0x90000053  }
0xa1: {  	_ =	strace $0x80000051  }
0xa2: {  	_ =	swait.ge [sflag:s12], $0x100  }
0xa3: {  	[sflag:s12] =	ssyncset.done $0x0  }
0xa4: {  	[sflag:s12] =	ssyncadd.s32 $0xFFFFFF00  }
0xa5: {  	_ =	strace $0x90000051  }
0xa6: {  	_ =	strace $0x80000052  }
0xa7: {  	[tilespmem:s13], [sflag:$0x5] =	stream.indirect.gather [hbm4b:s2+s7], $0x80, s7, s7, $0x2000b8;
	[tilespmem:$0x10200] =	vst v63  }
0xa8: {  	_ =	swait.ge [sflag:s10], $0x8000  }
0xa9: {  	[sflag:s10] =	ssyncset.done $0x0  }
0xaa: {  	[sflag:s10] =	ssyncadd.s32 $0xFFFF8000  }
0xab: {  	_ =	strace $0x90000052  }
0xac: {  	_ =	strace $0x80000053  }
0xad: {  	[hbm4b:s20+s4] =	stream.linear.scatter [tilespmem:s13], [sflag:$0x4], $0x8000, $0x200038;
	[tilespmem:$0x10200] =	vst v63  }
0xae: {  	_ =	strace $0x90000053  }
0xaf: {  	_ =	strace $0x80000054  }
0xb0: {  	_ =	swait.ge [sflag:s15], $0x8000  }
0xb1: {  	[sflag:s15] =	ssyncset.done $0x0  }
0xb2: {  	[sflag:s15] =	ssyncadd.s32 $0xFFFF8000  }
.Ltmp1:
0xb3: {  	_ =	strace $0x90000054;
	(pc) =	sbr.rel @p0 .LBB2_1-.Ltmp1, $4  }
0xb4: {  	_ =	strace $0x80000055  }
0xb5: {  	_ =	swait.ge [sflag:s16], $0x8000  }
0xb6: {  	[sflag:s16] =	ssyncset.done $0x0  }
0xb7: {  	[sflag:s16] =	ssyncadd.s32 $0xFFFF8000  }
.LBB2_2:
0xb8: {  	_ =	strace $0x90000055  }
0xb9: {  	_ =	sfence.sel $0x180000  }
0xba: {  	[bflag:$0x0] =	sbarrier.arrive $0xFFFF  }
0xbb: {  	p0 =	sne.s32 s3, $0x0;
	_ =	strace $0x90000047  }
0xbc: {  	s0 =	sadd.s32 @!p0 $0x100000, s0;
	[bflag:$0x2] =	sbarrier.arrive $0xFFFF  }
0xbd: {  	[sflag:s0] =	ssyncadd.tile.s32 @!p0 $0x1;
	_ =	shalt  }
.Lfunc_end2:
_tile_overlayer_lowered:
.L_overlay_start_2:
0xbe: {  	(tag) =	ssettag $0x2  }
0xbf: {  	s0 =	rddreg [dreg:$0x0];
	s2 =	stileid.u32  }
0xc0: {  	s1 =	rddreg [dreg:$0x1];
	p0 =	sne.s32 s2, $0x0  }
0xc1: {  	s3 =	rddreg [dreg:$0x2];
	[bflag:$0x3] =	sbarrier.arrive $0xFFFF;
	s2 =	simm.s32 @!p0 $0x1C01  }
0xc2: {  	[timem:s3], [sflag:s2] =	dma.local @!p0 [hbm:s0], s1  }
0xc3: {  	s0 =	simm.s32 @!p0 $0x1  }
0xc4: {  	_ =	swait.ge @!p0 [sflag:s0], s1  }
0xc5: {  	s1 =	ssub.s32 @!p0 $0x0, s1;
	[sflag:s0] =	ssyncset.done @!p0 $0x0  }
0xc6: {  	[sflag:s0] =	ssyncadd.s32 @!p0 s1  }
0xc7: {  	[bflag:$0x3] =	sbarrier.arrive $0xFFFF  }
0xc8: {  	_ =	shalt  }

// kernel: kernel.9.cloned.1.call-start
scs
__scs_entry_jumppad:
0x0: {  	(pc) =	sbr.rel $0x88, $3  }
0x1: {  	(tag) =	ssettag $0x0;
	lr =	simm.s32 $0x1  }
0x2: {  	[smem:$0x3F93] =	sst lr;
	_ =	strace $0xD0000000  }
0x3: {  	_ = 	snop  }
0x4: {  	_ = 	snop  }
0x5: {  	_ = 	snop  }
0x6: {  	_ = 	snop  }
0x7: {  	_ = 	snop  }
__scs_overlays_trampoline_lowered:
0x8: {  	[smem:$0x3FA2] =	sst s0  }
0x9: {  	[smem:$0x3FA3] =	sst s1  }
0xa: {  	[smem:$0x3FA4] =	sst s2  }
0xb: {  	[smem:$0x3FA5] =	sst s3  }
0xc: {  	[smem:$0x3FA6] =	sst s4  }
0xd: {  	[smem:$0x3FA7] =	sst s5  }
0xe: {  	[smem:$0x3FA8] =	sst s6  }
0xf: {  	[smem:$0x3FA9] =	sst s7  }
0x10: {  	[smem:$0x3FAA] =	sst s8  }
0x11: {  	[smem:$0x3FAB] =	sst s9;
	s0 =	simm.s32 @!p0 $0x0  }
0x12: {  	s1 =	sld [smem:$0x3F91];
	s0 =	simm.s32 @p0 $0x1  }
0x13: {  	[smem:$0x3FAC] =	sst s0;
	s0 =	simm.s32 @!p1 $0x0  }
0x14: {  	s2 =	sld [smem:$0x3F90];
	s0 =	simm.s32 @p1 $0x1  }
0x15: {  	[smem:$0x3FAD] =	sst s0;
	s0 =	simm.s32 @!p2 $0x0  }
0x16: {  	s3 =	sld [smem:$0x3FDB];
	s0 =	simm.s32 @p2 $0x1  }
0x17: {  	s4 =	simm.s32 $0x1BF5;
	[smem:$0x3FAF] =	sst s0  }
0x18: {  	s0 =	sld [smem:$0x3F92];
	_ =	swait.ge [sflag:s4], $0x0  }
0x19: {  	s7 =	sld [smem:$0x3F93]  }
0x1a: {  	s8 =	sadd.s32 $0xFFFFE003, lr  }
0x1b: {  	s9 =	sadd.s32 $0xFFFFFEF7, lr;
	s5 =	simm.s32 $0xFFFFFFFF;
	p2 =	slt.u32 s8, $0xFFFFF086  }
0x1c: {  	p1 =	slt.u32 s9, $0xF7A;
	s5 =	simm.s32 @!p2 $0x0  }
0x1d: {  	s5 =	simm.s32 @p1 $0x1;
	p0 =	seq.s32 s7, s2  }
0x1e: {  	s7 =	smul.u32 @!p0 $0xF7A, s2;
	p2 =	seq.s32 @!p0 s5, $0x0  }
0x1f: {  	s9 =	smul.u32 $0xF7A, s1;
	s8 =	simm.s32 @!p0 $0x1BF5;
	p2 =	por !p2, p0  }
0x20: {  	[sflag:s8] =	ssyncset.s32 @!p0 $0xFFFFF086;
	s6 =	sadd.s32 @!p0 s3, s7;
	s7 =	simm.s32 @!p0 $0x108  }
0x21: {  	s3 =	sadd.s32 s3, s9;
	s6 =	sadd.s32 @!p0 $0x88, s6;
	s7 =	simm.s32 @p2 $0x1082  }
0x22: {  	[simem:s7], [sflag:s8] =	dma.local @!p0 [hbm:s6], $0xF7A  }
0x23: {  	s9 =	sor.u32 $0xD0000000, s2;
	s6 =	simm.s32 $0x108;
	_ =	swait.ge @!p0 [sflag:s8], $0x0  }
0x24: {  	s3 =	sadd.s32 $0x88, s3;
	s6 =	simm.s32 @!p1 $0x1082;
	[sflag:s4] =	ssyncset.s32 $0xFFFFF086  }
0x25: {  	[simem:s6], [sflag:s4] =	dma.local [hbm:s3], $0xF7A  }
0x26: {  	[smem:$0x3F93] =	sst s1;
	(tag) =	ssettag s2;
	_ =	strace s9  }
0x27: {  	s1 =	sld [smem:$0x3FA3]  }
0x28: {  	s2 =	sld [smem:$0x3FA4]  }
0x29: {  	s4 =	sld [smem:$0x3FA6]  }
0x2a: {  	p0 =	seq.s32 s5, $0x0;
	s5 =	sld [smem:$0x3FA7]  }
0x2b: {  	s6 =	sld [smem:$0x3FA8]  }
0x2c: {  	s7 =	sld [smem:$0x3FA9]  }
0x2d: {  	s3 =	simm.s32 $0x108;
	s8 =	sld [smem:$0x3FAA]  }
0x2e: {  	s3 =	simm.s32 @!p0 $0x1082;
	s9 =	sld [smem:$0x3FAB]  }
0x2f: {  	lr =	sadd.s32 s0, s3;
	s0 =	sld [smem:$0x3FA2]  }
0x30: {  	s3 =	sld [smem:$0x3FA5]  }
0x31: {  	[smem:$0x3FAE] =	sst s10  }
0x32: {  	s10 =	sld [smem:$0x3FAC];
	_ =	sdelay $0x3  }
0x33: {  	p0 =	seq.s32 s10, $0x1;
	s10 =	sld [smem:$0x3FAE];
	_ =	sdelay $0x3  }
0x34: {  	[smem:$0x3FAE] =	sst s10  }
0x35: {  	s10 =	sld [smem:$0x3FAD];
	_ =	sdelay $0x3  }
0x36: {  	p1 =	seq.s32 s10, $0x1;
	s10 =	sld [smem:$0x3FAE];
	_ =	sdelay $0x3  }
0x37: {  	[smem:$0x3FAE] =	sst s10  }
0x38: {  	s10 =	sld [smem:$0x3FAF]  }
0x39: {  	_ = 	snop;
	(pc) =	sbr.ind lr, $3  }
0x3a: {  	_ = 	snop  }
0x3b: {  	_ = 	snop  }
0x3c: {  	p2 =	seq.s32 s10, $0x1;
	s10 =	sld [smem:$0x3FAE]  }
0x3d: {  	_ =	shalt  }
0x3e: {  	_ =	shalt  }
0x3f: {  	_ =	shalt  }
0x40: {  	_ =	shalt  }
0x41: {  	_ =	shalt  }
0x42: {  	_ =	shalt  }
0x43: {  	_ =	shalt  }
0x44: {  	_ =	shalt  }
0x45: {  	_ =	shalt  }
0x46: {  	_ =	shalt  }
0x47: {  	_ =	shalt  }
0x48: {  	_ =	shalt  }
0x49: {  	_ =	shalt  }
0x4a: {  	_ =	shalt  }
0x4b: {  	_ =	shalt  }
0x4c: {  	_ =	shalt  }
0x4d: {  	_ =	shalt  }
0x4e: {  	_ =	shalt  }
0x4f: {  	_ =	shalt  }
0x50: {  	_ =	shalt  }
0x51: {  	_ =	shalt  }
0x52: {  	_ =	shalt  }
0x53: {  	_ =	shalt  }
0x54: {  	_ =	shalt  }
0x55: {  	_ =	shalt  }
0x56: {  	_ =	shalt  }
0x57: {  	_ =	shalt  }
0x58: {  	_ =	shalt  }
0x59: {  	_ =	shalt  }
0x5a: {  	_ =	shalt  }
0x5b: {  	_ =	shalt  }
0x5c: {  	_ =	shalt  }
0x5d: {  	_ =	shalt  }
0x5e: {  	_ =	shalt  }
0x5f: {  	_ =	shalt  }
0x60: {  	_ =	shalt  }
0x61: {  	_ =	shalt  }
0x62: {  	_ =	shalt  }
0x63: {  	_ =	shalt  }
0x64: {  	_ =	shalt  }
0x65: {  	_ =	shalt  }
0x66: {  	_ =	shalt  }
0x67: {  	_ =	shalt  }
0x68: {  	_ =	shalt  }
0x69: {  	_ =	shalt  }
0x6a: {  	_ =	shalt  }
0x6b: {  	_ =	shalt  }
0x6c: {  	_ =	shalt  }
0x6d: {  	_ =	shalt  }
0x6e: {  	_ =	shalt  }
0x6f: {  	_ =	shalt  }
0x70: {  	_ =	shalt  }
0x71: {  	_ =	shalt  }
0x72: {  	_ =	shalt  }
0x73: {  	_ =	shalt  }
0x74: {  	_ =	shalt  }
0x75: {  	_ =	shalt  }
0x76: {  	_ =	shalt  }
0x77: {  	_ =	shalt  }
0x78: {  	_ =	shalt  }
0x79: {  	_ =	shalt  }
0x7a: {  	_ =	shalt  }
0x7b: {  	_ =	shalt  }
0x7c: {  	_ =	shalt  }
0x7d: {  	_ =	shalt  }
0x7e: {  	_ =	shalt  }
0x7f: {  	_ =	shalt  }
0x80: {  	_ =	shalt  }
0x81: {  	_ =	shalt  }
0x82: {  	_ =	shalt  }
0x83: {  	_ =	shalt  }
0x84: {  	_ =	shalt  }
0x85: {  	_ =	shalt  }
0x86: {  	_ =	shalt  }
0x87: {  	_ =	shalt  }
.Lfunc_end0:
.L_simem_size_0:
called_computation.1_lowered:
.L_overlay_start_0:
0x88: {  	s2 =	sld [smem:$0x3FD9]  }
0x89: {  	s3 =	sld [smem:$0x3FFE];
	_ =	sdelay $0x1  }
0x8a: {  	s1 =	srdreg.scid  }
0x8b: {  	s0 =	sand.u32 $0x1, s1  }
0x8c: {  	s17 =	sshll.u32 s0, $0xA;
	s2 =	sadd.s32 s3, s2  }
0x8d: {  	s2 =	sadd.s32 s2, s17  }
0x8e: {  	[smem:$0x3FBA] =	sst s2  }
0x8f: {  	_ = 	snop  }
0x90: {  	s2 =	sld [smem:$0x3FD0];
	(tm) =	ssettm $0x1  }
0x91: {  	s18 =	sld [smem:$0x3FFB];
	_ =	sdelay $0x3  }
0x92: {  	_ =	strace s18  }
0x93: {  	s3 =	sld [smem:$0x3FFC];
	_ =	sdelay $0x3  }
0x94: {  	_ =	strace s3  }
0x95: {  	s3 =	sld [smem:$0x3FFD];
	_ =	sdelay $0x3  }
0x96: {  	_ =	strace s3  }
0x97: {  	_ =	strace $0x8FFFFFFF  }
0x98: {  	s19 =	sld [smem:$0x3FDB];
	_ =	sdelay $0x1  }
0x99: {  	s4 =	simm.s32 $_scs_section_size  }
0x9a: {  	s5 =	simm.s32 $_size__tile_overlayer_lowered;
	s6 =	simm.s32 $_tile_overlayer_lowered  }
0x9b: {  	s22 =	simm.s32 $0x1BFF;
	s21 =	sshll.u32 s6, $0x1;
	s3 =	sadd.s32 s4, s19  }
0x9c: {  	s7 =	simm.s32 $0x0;
	s20 =	sshll.u32 s5, $0x1;
	s5 =	sadd.s32 s21, s3  }
0x9d: {  	[timem:s7], [sflag:s22] =	dma.local [hbm:s5], s20  }
0x9e: {  	_ =	swait.ge [sflag:s22], s20  }
0x9f: {  	s4 =	ssub.s32 $0x0, s20;
	[sflag:s22] =	ssyncset.done $0x0  }
0xa0: {  	[sflag:s22] =	ssyncadd.s32 s4;
	_ =	sdelay $0x1  }
0xa1: {  	s23 =	simm.s32 $0x1B8B  }
0xa2: {  	_ =	swait.ge [sflag:s23], $0x1  }
0xa3: {  	[sflag:s23] =	ssyncset.done $0x0  }
0xa4: {  	s25 =	simm.s32 $0x1B8E;
	s24 =	sld [smem:$0x3FFE];
	[sflag:s23] =	ssyncadd.s32 $0xFFFFFFFF  }
0xa5: {  	s26 =	simm.s32 $execute0_lowered;
	[smem:$0x3FD2] =	sst s25  }
0xa6: {  	s5 =	sshll.u32 s26, $0x1;
	_ =	strace $0x80000057;
	[dreg:$0x1] =	wrdreg $0xFFFFFFFF  }
0xa7: {  	s28 =	simm.s32 $_size_execute0_lowered;
	s3 =	sadd.s32 s3, s5;
	[dreg:$0x0] =	wrdreg $0x0  }
0xa8: {  	s5 =	sshll.u32 s28, $0x1;
	[dreg:$0x2] =	wrdreg s3  }
0xa9: {  	[dreg:$0x3] =	wrdreg s5  }
0xaa: {  	[dreg:$0x4] =	wrdreg $0xC0  }
0xab: {  	_ =	task [dreg:s7], $0x5FFFF  }
0xac: {  	[dreg:$0x1] =	wrdreg $0xFFFFFFFF  }
0xad: {  	[dreg:$0x0] =	wrdreg $0x60  }
0xae: {  	[dreg:$0x2] =	wrdreg s2  }
0xaf: {  	[dreg:$0x3] =	wrdreg s24  }
0xb0: {  	[dreg:$0x4] =	wrdreg $0x9  }
0xb1: {  	_ =	task.clear_ibuf [dreg:s7], $0x5FFFF;
	_ =	strace $0x90000057  }
0xb2: {  	s29 =	simm.s32 $0x9;
	_ =	strace $0x80000067  }
0xb3: {  	_ =	swait.ge [sflag:s29], $0x1  }
0xb4: {  	[sflag:s29] =	ssyncadd.s32 $0xFFFFFFFF  }
0xb5: {  	_ =	strace $0x90000067  }
0xb6: {  	_ =	sfence  }
0xb7: {  	s30 =	sld [smem:$0x0];
	_ =	sdelay $0x2  }
0xb8: {  	s31 =	sshll.u32 s1, $0xD;
	s1 =	sshrl.u32 s1, $0x2  }
0xb9: {  	s3 =	sand.u32 $0x4000, s31;
	s1 =	sadd.s32 s1, s30  }
0xba: {  	s0 =	sor.u32 s3, s0;
	s1 =	sshll.u32 s1, $0x11  }
0xbb: {  	s0 =	sor.u32 s1, s0  }
0xbc: {  	s0 =	sadd.s32 $0x8F2B, s0  }
0xbd: {  	[sflag:s0] =	ssyncadd.remote.s32 $0x1  }
0xbe: {  	_ =	sfence.sel $0xFFFF  }
0xbf: {  	[dreg:$0x0] =	wrdreg $0xFFFFFFFF;
	(pc) =	sbr.abs _section_cstart, $3  }
0xc0: {  	[dreg:$0x1] =	wrdreg $0xFFFFFFFF  }
0xc1: {  	_ =	task.clear_ibuf [dreg:s7], $0x2FFFF;
	_ =	strace $0x9FFFFFFF  }
0xc2: {  	(tm) =	ssettm $0x7FFFFFFF  }
0xc3: {  	_ =	shalt  }
tec
execute0_lowered:
.L_overlay_start_1:
0x0: {  	(tag) =	ssettag $0x1  }
0x1: {  	s3 =	rddreg [dreg:$0x0];
	s1 =	srdreg.scid  }
0x2: {  	s18 =	rddreg [dreg:$0x1];
	s20 =	sand.u32 $0x1, s1  }
0x3: {  	s2 =	simm.s32 $0x0;
	s1 =	stileid.u32;
	s4 =	sshll.u32 s20, $0x4  }
0x4: {  	[smem:$0x7FF] =	sst s2;
	s13 =	sor.u32 s1, s4  }
0x5: {  	s0 =	rddreg [dreg:$0x2];
	_ =	strace $0x80000058;
	s16 =	sshll.u32 s13, $0x6  }
0x6: {  	_ =	strace $0x80000059;
	s3 =	sadd.s32 s3, s16  }
0x7: {  	[tilespmem:s2], [sflag:$0x1] =	stream.linear.gather [hbm4b:s3+s2], $0x100, $0x200038;
	[tilespmem:$0x10200] =	vst v63  }
0x8: {  	_ =	strace $0x90000059  }
0x9: {  	s5 =	simm.s32 $0x100;
	s4 =	sadd.s32 $0x20, s3;
	_ =	strace $0x8000005A  }
0xa: {  	[tilespmem:s5], [sflag:$0x2] =	stream.linear.gather [hbm4b:s4+s2], $0x100, $0x200038;
	[tilespmem:$0x10200] =	vst v63  }
0xb: {  	_ =	strace $0x9000005A  }
0xc: {  	s6 =	simm.s32 $0x1;
	_ =	strace $0x8000005B  }
0xd: {  	_ =	swait.ge [sflag:s6], $0x100  }
0xe: {  	[sflag:s6] =	ssyncset.done $0x0  }
0xf: {  	[sflag:s6] =	ssyncadd.s32 $0xFFFFFF00  }
0x10: {  	s8 =	simm.s32 $0x200;
	_ =	strace $0x9000005B  }
0x11: {  	s9 =	simm.s32 $0x5;
	s7 =	sadd.s32 $0x83400, s18;
	_ =	strace $0x8000005C  }
0x12: {  	[tilespmem:s8], [sflag:$0x5] =	stream.indirect.gather [hbm4b:s7+s5], $0x80, s2, s5, $0x2000b8;
	[tilespmem:$0x10200] =	vst v63  }
0x13: {  	_ =	swait.ge [sflag:s9], $0x8000  }
0x14: {  	[sflag:s9] =	ssyncset.done $0x0  }
0x15: {  	s14 =	sadd.s32 $0x147C00, s18;
	[sflag:s9] =	ssyncadd.s32 $0xFFFF8000  }
0x16: {  	s19 =	sshll.u32 s13, $0xD;
	_ =	strace $0x9000005C  }
0x17: {  	s10 =	sadd.s32 s14, s19;
	_ =	strace $0x8000005D  }
0x18: {  	[hbm4b:s10+s2] =	stream.linear.scatter [tilespmem:s8], [sflag:$0x3], $0x8000, $0x200038;
	[tilespmem:$0x10200] =	vst v63  }
0x19: {  	_ =	strace $0x9000005D  }
0x1a: {  	s11 =	simm.s32 $0x2;
	_ =	strace $0x8000005B  }
0x1b: {  	_ =	swait.ge [sflag:s11], $0x100  }
0x1c: {  	[sflag:s11] =	ssyncset.done $0x0  }
0x1d: {  	[sflag:s11] =	ssyncadd.s32 $0xFFFFFF00  }
0x1e: {  	_ =	strace $0x9000005B  }
0x1f: {  	s12 =	simm.s32 $0x8200;
	_ =	strace $0x8000005C  }
0x20: {  	[tilespmem:s12], [sflag:$0x5] =	stream.indirect.gather [hbm4b:s7+s5], $0x80, s5, s5, $0x2000b8;
	[tilespmem:$0x10200] =	vst v63  }
0x21: {  	_ =	swait.ge [sflag:s9], $0x8000  }
0x22: {  	[sflag:s9] =	ssyncset.done $0x0  }
0x23: {  	s17 =	sshllo.u32 s13, $0x1;
	[sflag:s9] =	ssyncadd.s32 $0xFFFF8000  }
0x24: {  	s21 =	sshll.u32 s17, $0xC;
	_ =	strace $0x9000005C  }
0x25: {  	s13 =	sadd.s32 s14, s21;
	_ =	strace $0x8000005D  }
0x26: {  	[hbm4b:s13+s2] =	stream.linear.scatter [tilespmem:s12], [sflag:$0x4], $0x8000, $0x200038;
	[tilespmem:$0x10200] =	vst v63  }
0x27: {  	_ =	strace $0x9000005D  }
0x28: {  	s14 =	simm.s32 $0x3;
	_ =	strace $0x8000005E  }
0x29: {  	_ =	swait.ge [sflag:s14], $0x8000  }
0x2a: {  	[sflag:s14] =	ssyncset.done $0x0  }
0x2b: {  	[sflag:s14] =	ssyncadd.s32 $0xFFFF8000  }
0x2c: {  	_ =	strace $0x9000005E  }
0x2d: {  	s15 =	simm.s32 $0x4;
	_ =	strace $0x8000005F  }
0x2e: {  	_ =	swait.ge [sflag:s15], $0x8000  }
0x2f: {  	[sflag:s15] =	ssyncset.done $0x0  }
0x30: {  	[sflag:s15] =	ssyncadd.s32 $0xFFFF8000  }
0x31: {  	s22 =	sadd.s32 $0x147400, s18;
	_ =	strace $0x9000005F  }
0x32: {  	s16 =	sadd.s32 s22, s16;
	_ =	strace $0x80000060  }
0x33: {  	[tilespmem:s2], [sflag:$0x1] =	stream.linear.gather [hbm4b:s16+s2], $0x100, $0x200038;
	[tilespmem:$0x10200] =	vst v63  }
0x34: {  	s17 =	sshll.u32 s17, $0x5;
	_ =	strace $0x90000060  }
0x35: {  	s17 =	sadd.s32 s22, s17;
	_ =	strace $0x80000061  }
0x36: {  	[tilespmem:s5], [sflag:$0x2] =	stream.linear.gather [hbm4b:s17+s2], $0x100, $0x200038;
	[tilespmem:$0x10200] =	vst v63  }
0x37: {  	_ =	strace $0x90000061  }
0x38: {  	_ =	strace $0x80000062  }
0x39: {  	_ =	swait.ge [sflag:s6], $0x100  }
0x3a: {  	[sflag:s6] =	ssyncset.done $0x0  }
0x3b: {  	[sflag:s6] =	ssyncadd.s32 $0xFFFFFF00  }
0x3c: {  	_ =	strace $0x90000062  }
0x3d: {  	_ =	strace $0x80000063  }
0x3e: {  	[tilespmem:s8], [sflag:$0x5] =	stream.indirect.gather [hbm4b:s7+s5], $0x80, s2, s5, $0x2000b8;
	[tilespmem:$0x10200] =	vst v63  }
0x3f: {  	_ =	swait.ge [sflag:s9], $0x8000  }
0x40: {  	[sflag:s9] =	ssyncset.done $0x0  }
0x41: {  	[sflag:s9] =	ssyncadd.s32 $0xFFFF8000  }
0x42: {  	s30 =	sadd.s32 $0x187C00, s18;
	_ =	strace $0x90000063  }
0x43: {  	s18 =	sadd.s32 s30, s19;
	_ =	strace $0x80000064  }
0x44: {  	[hbm4b:s18+s2] =	stream.linear.scatter [tilespmem:s8], [sflag:$0x3], $0x8000, $0x200038;
	[tilespmem:$0x10200] =	vst v63  }
0x45: {  	_ =	strace $0x90000064  }
0x46: {  	_ =	strace $0x80000062  }
0x47: {  	_ =	swait.ge [sflag:s11], $0x100  }
0x48: {  	[sflag:s11] =	ssyncset.done $0x0  }
0x49: {  	[sflag:s11] =	ssyncadd.s32 $0xFFFFFF00  }
0x4a: {  	_ =	strace $0x90000062  }
0x4b: {  	_ =	strace $0x80000063  }
0x4c: {  	[tilespmem:s12], [sflag:$0x5] =	stream.indirect.gather [hbm4b:s7+s5], $0x80, s5, s5, $0x2000b8;
	[tilespmem:$0x10200] =	vst v63  }
0x4d: {  	_ =	swait.ge [sflag:s9], $0x8000  }
0x4e: {  	[sflag:s9] =	ssyncset.done $0x0  }
0x4f: {  	[sflag:s9] =	ssyncadd.s32 $0xFFFF8000  }
0x50: {  	_ =	strace $0x90000063  }
0x51: {  	s19 =	sadd.s32 s30, s21;
	_ =	strace $0x80000064  }
0x52: {  	[hbm4b:s19+s2] =	stream.linear.scatter [tilespmem:s12], [sflag:$0x4], $0x8000, $0x200038;
	[tilespmem:$0x10200] =	vst v63  }
0x53: {  	s20 =	ssub.s32 $0x2, s20;
	_ =	strace $0x90000064  }
0x54: {  	s31 =	sshrl.u32 s20, $0x1;
	_ =	strace $0x80000065  }
0x55: {  	s20 =	ssub.s32 s20, s31;
	_ =	swait.ge [sflag:s14], $0x8000  }
0x56: {  	s20 =	smax.u32 s20, $0x1;
	[sflag:s14] =	ssyncset.done $0x0  }
0x57: {  	p0 =	sne.s32 s20, $0x1;
	[sflag:s14] =	ssyncadd.s32 $0xFFFF8000  }
.Ltmp0:
0x58: {  	_ =	strace $0x90000065;
	(pc) =	sbr.rel @!p0 .LBB2_2-.Ltmp0, $4  }
0x59: {  	_ =	strace $0x80000066  }
0x5a: {  	_ =	swait.ge [sflag:s15], $0x8000  }
0x5b: {  	[sflag:s15] =	ssyncset.done $0x0  }
0x5c: {  	s20 =	sadd.s32 $0xFFFFFFFF, s20;
	[sflag:s15] =	ssyncadd.s32 $0xFFFF8000  }
.LBB2_1:
0x5d: {  	p0 =	sne.s32 s20, $0x1;
	s20 =	sadd.s32 $0xFFFFFFFF, s20;
	_ =	strace $0x90000066  }
0x5e: {  	_ =	strace $0x80000059  }
0x5f: {  	[tilespmem:s2], [sflag:$0x1] =	stream.linear.gather [hbm4b:s3+s2], $0x100, $0x200038;
	[tilespmem:$0x10200] =	vst v63  }
0x60: {  	_ =	strace $0x90000059  }
0x61: {  	_ =	strace $0x8000005A  }
0x62: {  	[tilespmem:s5], [sflag:$0x2] =	stream.linear.gather [hbm4b:s4+s2], $0x100, $0x200038;
	[tilespmem:$0x10200] =	vst v63  }
0x63: {  	_ =	strace $0x9000005A  }
0x64: {  	_ =	strace $0x8000005B  }
0x65: {  	_ =	swait.ge [sflag:s6], $0x100  }
0x66: {  	[sflag:s6] =	ssyncset.done $0x0  }
0x67: {  	[sflag:s6] =	ssyncadd.s32 $0xFFFFFF00  }
0x68: {  	_ =	strace $0x9000005B  }
0x69: {  	_ =	strace $0x8000005C  }
0x6a: {  	[tilespmem:s8], [sflag:$0x5] =	stream.indirect.gather [hbm4b:s7+s5], $0x80, s2, s5, $0x2000b8;
	[tilespmem:$0x10200] =	vst v63  }
0x6b: {  	_ =	swait.ge [sflag:s9], $0x8000  }
0x6c: {  	[sflag:s9] =	ssyncset.done $0x0  }
0x6d: {  	[sflag:s9] =	ssyncadd.s32 $0xFFFF8000  }
0x6e: {  	_ =	strace $0x9000005C  }
0x6f: {  	_ =	strace $0x8000005D  }
0x70: {  	[hbm4b:s10+s2] =	stream.linear.scatter [tilespmem:s8], [sflag:$0x3], $0x8000, $0x200038;
	[tilespmem:$0x10200] =	vst v63  }
0x71: {  	_ =	strace $0x9000005D  }
0x72: {  	_ =	strace $0x8000005B  }
0x73: {  	_ =	swait.ge [sflag:s11], $0x100  }
0x74: {  	[sflag:s11] =	ssyncset.done $0x0  }
0x75: {  	[sflag:s11] =	ssyncadd.s32 $0xFFFFFF00  }
0x76: {  	_ =	strace $0x9000005B  }
0x77: {  	_ =	strace $0x8000005C  }
0x78: {  	[tilespmem:s12], [sflag:$0x5] =	stream.indirect.gather [hbm4b:s7+s5], $0x80, s5, s5, $0x2000b8;
	[tilespmem:$0x10200] =	vst v63  }
0x79: {  	_ =	swait.ge [sflag:s9], $0x8000  }
0x7a: {  	[sflag:s9] =	ssyncset.done $0x0  }
0x7b: {  	[sflag:s9] =	ssyncadd.s32 $0xFFFF8000  }
0x7c: {  	_ =	strace $0x9000005C  }
0x7d: {  	_ =	strace $0x8000005D  }
0x7e: {  	[hbm4b:s13+s2] =	stream.linear.scatter [tilespmem:s12], [sflag:$0x4], $0x8000, $0x200038;
	[tilespmem:$0x10200] =	vst v63  }
0x7f: {  	_ =	strace $0x9000005D  }
0x80: {  	_ =	strace $0x8000005E  }
0x81: {  	_ =	swait.ge [sflag:s14], $0x8000  }
0x82: {  	[sflag:s14] =	ssyncset.done $0x0  }
0x83: {  	[sflag:s14] =	ssyncadd.s32 $0xFFFF8000  }
0x84: {  	_ =	strace $0x9000005E  }
0x85: {  	_ =	strace $0x8000005F  }
0x86: {  	_ =	swait.ge [sflag:s15], $0x8000  }
0x87: {  	[sflag:s15] =	ssyncset.done $0x0  }
0x88: {  	[sflag:s15] =	ssyncadd.s32 $0xFFFF8000  }
0x89: {  	_ =	strace $0x9000005F  }
0x8a: {  	_ =	strace $0x80000060  }
0x8b: {  	[tilespmem:s2], [sflag:$0x1] =	stream.linear.gather [hbm4b:s16+s2], $0x100, $0x200038;
	[tilespmem:$0x10200] =	vst v63  }
0x8c: {  	_ =	strace $0x90000060  }
0x8d: {  	_ =	strace $0x80000061  }
0x8e: {  	[tilespmem:s5], [sflag:$0x2] =	stream.linear.gather [hbm4b:s17+s2], $0x100, $0x200038;
	[tilespmem:$0x10200] =	vst v63  }
0x8f: {  	_ =	strace $0x90000061  }
0x90: {  	_ =	strace $0x80000062  }
0x91: {  	_ =	swait.ge [sflag:s6], $0x100  }
0x92: {  	[sflag:s6] =	ssyncset.done $0x0  }
0x93: {  	[sflag:s6] =	ssyncadd.s32 $0xFFFFFF00  }
0x94: {  	_ =	strace $0x90000062  }
0x95: {  	_ =	strace $0x80000063  }
0x96: {  	[tilespmem:s8], [sflag:$0x5] =	stream.indirect.gather [hbm4b:s7+s5], $0x80, s2, s5, $0x2000b8;
	[tilespmem:$0x10200] =	vst v63  }
0x97: {  	_ =	swait.ge [sflag:s9], $0x8000  }
0x98: {  	[sflag:s9] =	ssyncset.done $0x0  }
0x99: {  	[sflag:s9] =	ssyncadd.s32 $0xFFFF8000  }
0x9a: {  	_ =	strace $0x90000063  }
0x9b: {  	_ =	strace $0x80000064  }
0x9c: {  	[hbm4b:s18+s2] =	stream.linear.scatter [tilespmem:s8], [sflag:$0x3], $0x8000, $0x200038;
	[tilespmem:$0x10200] =	vst v63  }
0x9d: {  	_ =	strace $0x90000064  }
0x9e: {  	_ =	strace $0x80000062  }
0x9f: {  	_ =	swait.ge [sflag:s11], $0x100  }
0xa0: {  	[sflag:s11] =	ssyncset.done $0x0  }
0xa1: {  	[sflag:s11] =	ssyncadd.s32 $0xFFFFFF00  }
0xa2: {  	_ =	strace $0x90000062  }
0xa3: {  	_ =	strace $0x80000063  }
0xa4: {  	[tilespmem:s12], [sflag:$0x5] =	stream.indirect.gather [hbm4b:s7+s5], $0x80, s5, s5, $0x2000b8;
	[tilespmem:$0x10200] =	vst v63  }
0xa5: {  	_ =	swait.ge [sflag:s9], $0x8000  }
0xa6: {  	[sflag:s9] =	ssyncset.done $0x0  }
0xa7: {  	[sflag:s9] =	ssyncadd.s32 $0xFFFF8000  }
0xa8: {  	_ =	strace $0x90000063  }
0xa9: {  	_ =	strace $0x80000064  }
0xaa: {  	[hbm4b:s19+s2] =	stream.linear.scatter [tilespmem:s12], [sflag:$0x4], $0x8000, $0x200038;
	[tilespmem:$0x10200] =	vst v63  }
0xab: {  	_ =	strace $0x90000064  }
0xac: {  	_ =	strace $0x80000065  }
0xad: {  	_ =	swait.ge [sflag:s14], $0x8000  }
0xae: {  	[sflag:s14] =	ssyncset.done $0x0  }
0xaf: {  	[sflag:s14] =	ssyncadd.s32 $0xFFFF8000  }
.Ltmp1:
0xb0: {  	_ =	strace $0x90000065;
	(pc) =	sbr.rel @p0 .LBB2_1-.Ltmp1, $4  }
0xb1: {  	_ =	strace $0x80000066  }
0xb2: {  	_ =	swait.ge [sflag:s15], $0x8000  }
0xb3: {  	[sflag:s15] =	ssyncset.done $0x0  }
0xb4: {  	[sflag:s15] =	ssyncadd.s32 $0xFFFF8000  }
.LBB2_2:
0xb5: {  	_ =	strace $0x90000066  }
0xb6: {  	_ =	sfence.sel $0x180000  }
0xb7: {  	[bflag:$0x0] =	sbarrier.arrive $0xFFFF  }
0xb8: {  	p0 =	sne.s32 s1, $0x0;
	_ =	strace $0x90000058  }
0xb9: {  	s0 =	sadd.s32 @!p0 $0x100000, s0;
	[bflag:$0x2] =	sbarrier.arrive $0xFFFF  }
0xba: {  	[sflag:s0] =	ssyncadd.tile.s32 @!p0 $0x1;
	_ =	shalt  }
.Lfunc_end2:
_tile_overlayer_lowered:
.L_overlay_start_2:
0xbb: {  	(tag) =	ssettag $0x2  }
0xbc: {  	s0 =	rddreg [dreg:$0x0];
	s2 =	stileid.u32  }
0xbd: {  	s1 =	rddreg [dreg:$0x1];
	p0 =	sne.s32 s2, $0x0  }
0xbe: {  	s3 =	rddreg [dreg:$0x2];
	[bflag:$0x3] =	sbarrier.arrive $0xFFFF;
	s2 =	simm.s32 @!p0 $0x1C01  }
0xbf: {  	[timem:s3], [sflag:s2] =	dma.local @!p0 [hbm:s0], s1  }
0xc0: {  	s0 =	simm.s32 @!p0 $0x1  }
0xc1: {  	_ =	swait.ge @!p0 [sflag:s0], s1  }
0xc2: {  	s1 =	ssub.s32 @!p0 $0x0, s1;
	[sflag:s0] =	ssyncset.done @!p0 $0x0  }
0xc3: {  	[sflag:s0] =	ssyncadd.s32 @!p0 s1  }
0xc4: {  	[bflag:$0x3] =	sbarrier.arrive $0xFFFF  }
0xc5: {  	_ =	shalt  }

</sc_bundles>
